<compile_context>
chip_gen: v7x
topology: tpu7x:2x2x1
jax: 0.10.2.dev20260603
libtpu: 0.0.44.dev20260713+nightly
codegen_flags: <defaults>
</compile_context>

<pallas_src>
import jax
import jax.numpy as jnp
from jax import lax
from jax.experimental import pallas as pl
from jax.experimental.pallas import tpu as pltpu
from jax.experimental.pallas import tpu_sc as plsc

BATCH = 4096
P = 200
EMBED_DIM = 128
N = BATCH * P
NC = 2
NS = 16
NW = NC * NS
K = 128
B_PER_W = N // NW
N_CHUNKS = B_PER_W // K
NBUF = 4
L = 16


def _emb_body(ids_hbm, table_hbm, out_hbm, idx_all, tbl_flat, rows, ssems):
    c = lax.axis_index("c")
    s = lax.axis_index("s")
    wid = s * NC + c
    chunk0 = wid * N_CHUNKS

    pltpu.sync_copy(table_hbm, tbl_flat)
    pltpu.sync_copy(ids_hbm.at[pl.ds(chunk0, N_CHUNKS)], idx_all)

    def s_copy(j, b):
        return pltpu.make_async_copy(
            rows[b],
            out_hbm.at[pl.ds((chunk0 + j) * K * EMBED_DIM, K * EMBED_DIM)],
            ssems[b])

    iota16 = lax.iota(jnp.int32, L)

    def build(j, b):
        @plsc.parallel_loop(0, K // L)
        def grp(g):
            srcb = idx_all[j, pl.ds(g * L, L)] * EMBED_DIM
            dstb = (g * L + iota16) * EMBED_DIM
            sv = srcb + iota16
            dv = dstb + iota16

            @plsc.parallel_loop(0, EMBED_DIM - L, unroll=16)
            def col(c):
                vals = plsc.load_gather(tbl_flat, [sv + c])
                plsc.store_scatter(rows[b], [dv + c], vals)

            @plsc.parallel_loop(EMBED_DIM - L, EMBED_DIM, unroll=16)
            def tail(c):
                colv = (iota16 + c) & (EMBED_DIM - 1)
                vals = plsc.load_gather(tbl_flat, [srcb + colv])
                plsc.store_scatter(rows[b], [dstb + colv], vals)

    @pl.loop(0, N_CHUNKS, step=NBUF)
    def ring(outer):
        for b in range(NBUF):
            j = outer + b

            @pl.when(j >= NBUF)
            def _():
                s_copy(j - NBUF, b).wait()

            build(j, b)
            s_copy(j, b).start()

    for b in range(NBUF):
        s_copy(N_CHUNKS - NBUF + b, b).wait()


@jax.jit
def _emb_lookup(ids_2d, table):
    mesh = plsc.VectorSubcoreMesh(core_axis_name="c", subcore_axis_name="s")
    return pl.kernel(
        _emb_body,
        out_type=jax.ShapeDtypeStruct((N * EMBED_DIM,), jnp.float32),
        mesh=mesh,
        compiler_params=pltpu.CompilerParams(needs_layout_passes=False),
        scratch_types=[
            pltpu.VMEM((N_CHUNKS, K), jnp.int32),
            pltpu.VMEM((3 * EMBED_DIM,), jnp.float32),
            [pltpu.VMEM((K * EMBED_DIM,), jnp.float32)] * NBUF,
            [pltpu.SemaphoreType.DMA] * NBUF,
        ],
    )(ids_2d, table)


def kernel(perturbation_ids, table):
    table = table.reshape(3 * EMBED_DIM)
    ids_2d = perturbation_ids.astype(jnp.int32).reshape(N // K, K)
    out = _emb_lookup(ids_2d, table)
    return out.reshape(BATCH, P, EMBED_DIM)

# --- scband reference (transcript-rebuilt; emitter-appended) ---
"""Pipeline reference for scband-perturbation-embedding-10136122819129 (READ-ONLY COPY).

The authoritative reference and input builder live on the scoring server;
editing this copy changes nothing except your own understanding.
"""

import jax, jax.numpy as jnp
import numpy as np

BATCH = 4096
P = 200
EMBED_DIM = 128
NUM_EMB = 3


def setup_inputs(seed: int = 0) -> dict:
    key = jax.random.key(seed)
    k1, k2 = jax.random.split(key)
    perturbation_ids = jax.random.randint(k1, (BATCH, P), 0, NUM_EMB)
    # nn.Embedding weight ~ N(0,1); padding_idx=0 row initialized to zeros
    table = jax.random.normal(k2, (NUM_EMB, EMBED_DIM), dtype=jnp.float32)
    table = table.at[0].set(0.0)
    return {"perturbation_ids": perturbation_ids, "table": table}


def reference(perturbation_ids, table):
    # Faithful to nn.Embedding(num_embeddings=3, padding_idx=0):
    # gather rows; padding index 0 always maps to zeros.
    emb = jnp.take(table, perturbation_ids, axis=0)
    mask = (perturbation_ids != 0)[..., None]
    return jnp.where(mask, emb, 0.0)

if __name__ == "__main__":
    import jax
    _d = setup_inputs()
    print(jax.jit(kernel)(*tuple(_d.values())))

</pallas_src>

<mosaic_0001>
#map = affine_map<(d0, d1) -> (0, 0)>
#map1 = affine_map<(d0, d1) -> (0)>
module attributes {stable_mosaic.version = 14 : i64} {
  func.func @_emb_body(%arg0: i32, %arg1: i32, %arg2: memref<6400x128xi32, #tpu.memory_space<hbm>>, %arg3: memref<384xf32, #tpu.memory_space<hbm>>, %arg4: memref<104857600xf32, #tpu.memory_space<hbm>>, %arg5: memref<200x128xi32, #tpu.memory_space<vmem>>, %arg6: memref<384xf32, #tpu.memory_space<vmem>>, %arg7: memref<16384xf32, #tpu.memory_space<vmem>>, %arg8: memref<16384xf32, #tpu.memory_space<vmem>>, %arg9: memref<16384xf32, #tpu.memory_space<vmem>>, %arg10: memref<16384xf32, #tpu.memory_space<vmem>>, %arg11: memref<!tpu.dma_semaphore, #tpu.memory_space<semaphore_mem>>, %arg12: memref<!tpu.dma_semaphore, #tpu.memory_space<semaphore_mem>>, %arg13: memref<!tpu.dma_semaphore, #tpu.memory_space<semaphore_mem>>, %arg14: memref<!tpu.dma_semaphore, #tpu.memory_space<semaphore_mem>>) attributes {dimension_semantics = [#tpu.dimension_semantics<core_parallel>, #tpu.dimension_semantics<subcore_parallel>], iteration_bounds = array<i64: 2, 16>, scalar_prefetch = 0 : i64, scratch_operands = 10 : i64, tpu.core_type = #tpu.core_type<sc_vector_subcore>, window_params = [{transform_indices = #map}, {transform_indices = #map1}, {transform_indices = #map1}]} {
    %mul3A = arith.constant 2 : i32
    %mul3A_0 = arith.muli %arg1, %mul3A : i32
    %add3A = arith.addi %mul3A_0, %arg0 : i32
    %mul3A_1 = arith.constant 200 : i32
    %mul3A_2 = arith.muli %add3A, %mul3A_1 : i32
    "tpu.region"() ({
      %run_scoped3A = tpu.sem_alloc : memref<!tpu.dma_semaphore, #tpu.memory_space<semaphore_mem>>
      tpu.enqueue_dma source(%arg3 : memref<384xf32, #tpu.memory_space<hbm>>) target(%arg6 : memref<384xf32, #tpu.memory_space<vmem>>) target_semaphore(%run_scoped3A : memref<!tpu.dma_semaphore, #tpu.memory_space<semaphore_mem>>)
      tpu.wait_dma2 semaphore(%run_scoped3A : memref<!tpu.dma_semaphore, #tpu.memory_space<semaphore_mem>>) src(%arg3 : memref<384xf32, #tpu.memory_space<hbm>>) dst(%arg6 : memref<384xf32, #tpu.memory_space<vmem>>)
      tpu.yield
    }) : () -> ()
    "tpu.region"() ({
      %run_scoped3A = tpu.sem_alloc : memref<!tpu.dma_semaphore, #tpu.memory_space<semaphore_mem>>
      %dma_start3A = arith.constant 0 : i32
      %dma_start3A_38 = tpu.memref_slice %arg2[%mul3A_2, %dma_start3A] : memref<6400x128xi32, #tpu.memory_space<hbm>> -> memref<200x128xi32, #tpu.memory_space<hbm>>
      %dma_start3A_39 = arith.constant 0 : i32
      %dma_start3A_40 = tpu.memref_slice %arg2[%mul3A_2, %dma_start3A_39] : memref<6400x128xi32, #tpu.memory_space<hbm>> -> memref<200x128xi32, #tpu.memory_space<hbm>>
      tpu.enqueue_dma source(%dma_start3A_40 : memref<200x128xi32, #tpu.memory_space<hbm>>) target(%arg5 : memref<200x128xi32, #tpu.memory_space<vmem>>) target_semaphore(%run_scoped3A : memref<!tpu.dma_semaphore, #tpu.memory_space<semaphore_mem>>)
      %dma_wait3A_41 = arith.constant 0 : i32
      %dma_wait3A_42 = tpu.memref_slice %arg2[%mul3A_2, %dma_wait3A_41] : memref<6400x128xi32, #tpu.memory_space<hbm>> -> memref<200x128xi32, #tpu.memory_space<hbm>>
      %dma_wait3A_43 = arith.constant 0 : i32
      %dma_wait3A_44 = tpu.memref_slice %arg2[%mul3A_2, %dma_wait3A_43] : memref<6400x128xi32, #tpu.memory_space<hbm>> -> memref<200x128xi32, #tpu.memory_space<hbm>>
      tpu.wait_dma2 semaphore(%run_scoped3A : memref<!tpu.dma_semaphore, #tpu.memory_space<semaphore_mem>>) src(%dma_wait3A_44 : memref<200x128xi32, #tpu.memory_space<hbm>>) dst(%arg5 : memref<200x128xi32, #tpu.memory_space<vmem>>)
      tpu.yield
    }) : () -> ()
    %iota3A = tpu.iota {dimensions = array<i32: 0>} : vector<16xi32>
    %scan3A = arith.constant 0 : i32
    %scan3A_3 = arith.constant 50 : i32
    %scan3A_4 = arith.addi %scan3A, %scan3A_3 : i32
    %scan3A_5 = arith.constant 1 : i32
    scf.for %scan3A_38 = %scan3A to %scan3A_4 step %scan3A_5  : i32 {
      %mul3A_39 = arith.constant 4 : i32
      %mul3A_40 = arith.muli %scan3A_38, %mul3A_39 : i32
      %add3A_41 = arith.constant 0 : i32
      %add3A_42 = arith.addi %add3A_41, %mul3A_40 : i32
      %add3A_43 = arith.constant 0 : i32
      %add3A_44 = arith.addi %add3A_42, %add3A_43 : i32
      %ge3A = arith.constant 4 : i32
      %ge3A_45 = arith.cmpi sge, %add3A_44, %ge3A : i32
      %convert_element_type3A = arith.extui %ge3A_45 : i1 to i32
      %cond3A = arith.constant 0 : i32
      %cond3A_46 = arith.cmpi ne, %convert_element_type3A, %cond3A : i32
      scf.if %cond3A_46 {
        %sub3A = arith.constant 4 : i32
        %sub3A_106 = arith.subi %add3A_44, %sub3A : i32
        %add3A_107 = arith.addi %mul3A_2, %sub3A_106 : i32
        %mul3A_108 = arith.constant 128 : i32
        %mul3A_109 = arith.muli %add3A_107, %mul3A_108 : i32
        %mul3A_110 = arith.constant 128 : i32
        %mul3A_111 = arith.muli %mul3A_109, %mul3A_110 : i32
        %dma_wait3A_112 = tpu.memref_slice %arg4[%mul3A_111] : memref<104857600xf32, #tpu.memory_space<hbm>> -> memref<16384xf32, #tpu.memory_space<hbm>>
        %dma_wait3A_113 = tpu.memref_slice %arg4[%mul3A_111] : memref<104857600xf32, #tpu.memory_space<hbm>> -> memref<16384xf32, #tpu.memory_space<hbm>>
        tpu.wait_dma2 semaphore(%arg11 : memref<!tpu.dma_semaphore, #tpu.memory_space<semaphore_mem>>) src(%arg7 : memref<16384xf32, #tpu.memory_space<vmem>>) dst(%dma_wait3A_113 : memref<16384xf32, #tpu.memory_space<hbm>>)
      } else {
      }
      %parallel_loop3A = arith.constant 0 : i32
      %parallel_loop3A_47 = arith.constant 8 : i32
      %parallel_loop3A_48 = arith.constant 1 : i32
      scf.for %parallel_loop3A_106 = %parallel_loop3A to %parallel_loop3A_47 step %parallel_loop3A_48  : i32 {
        %parallel_loop3A_107 = arith.constant 16 : i32
        %parallel_loop3A_108 = arith.muli %parallel_loop3A_106, %parallel_loop3A_107 : i32
        %parallel_loop3A_109 = arith.index_cast %add3A_44 : i32 to index
        %parallel_loop3A_110 = arith.index_cast %parallel_loop3A_108 : i32 to index
        %parallel_loop3A_111 = tpu.vector_load %arg5[%parallel_loop3A_109, %parallel_loop3A_110] {strides = array<i32>} : memref<200x128xi32, #tpu.memory_space<vmem>>, vector<16xi32>,
        %parallel_loop3A_112 = arith.constant 128 : i32
        %parallel_loop3A_113 = vector.broadcast %parallel_loop3A_112 : i32 to vector<16xi32>
        %parallel_loop3A_114 = arith.muli %parallel_loop3A_111, %parallel_loop3A_113 : vector<16xi32>
        %parallel_loop3A_115 = arith.constant 16 : i32
        %parallel_loop3A_116 = arith.muli %parallel_loop3A_106, %parallel_loop3A_115 : i32
        %parallel_loop3A_117 = vector.broadcast %parallel_loop3A_116 : i32 to vector<16xi32>
        %parallel_loop3A_118 = arith.addi %parallel_loop3A_117, %iota3A : vector<16xi32>
        %parallel_loop3A_119 = arith.constant 128 : i32
        %parallel_loop3A_120 = vector.broadcast %parallel_loop3A_119 : i32 to vector<16xi32>
        %parallel_loop3A_121 = arith.muli %parallel_loop3A_118, %parallel_loop3A_120 : vector<16xi32>
        %parallel_loop3A_122 = arith.addi %parallel_loop3A_114, %iota3A : vector<16xi32>
        %parallel_loop3A_123 = arith.addi %parallel_loop3A_121, %iota3A : vector<16xi32>
        %parallel_loop3A_124 = arith.constant 0 : i32
        %parallel_loop3A_125 = arith.constant 112 : i32
        %parallel_loop3A_126 = arith.constant 1 : i32
        scf.for %parallel_loop3A_130 = %parallel_loop3A_124 to %parallel_loop3A_125 step %parallel_loop3A_126  : i32 {
          %parallel_loop3A_131 = vector.broadcast %parallel_loop3A_130 : i32 to vector<16xi32>
          %parallel_loop3A_132 = arith.addi %parallel_loop3A_122, %parallel_loop3A_131 : vector<16xi32>
          %parallel_loop3A_133 = tpu.vector_load_idx %arg6[%parallel_loop3A_132] : memref<384xf32, #tpu.memory_space<vmem>>[vector<16xi32>], vector<16xf32>,
          %parallel_loop3A_134 = vector.broadcast %parallel_loop3A_130 : i32 to vector<16xi32>
          %parallel_loop3A_135 = arith.addi %parallel_loop3A_123, %parallel_loop3A_134 : vector<16xi32>
          tpu.vector_store_idx %arg7[%parallel_loop3A_135], %parallel_loop3A_133 : memref<16384xf32, #tpu.memory_space<vmem>>[vector<16xi32>], vector<16xf32>,
        } {sc.loop_unroll_factor = 16 : i64, sc.parallel_access}
        %parallel_loop3A_127 = arith.constant 112 : i32
        %parallel_loop3A_128 = arith.constant 128 : i32
        %parallel_loop3A_129 = arith.constant 1 : i32
        scf.for %parallel_loop3A_130 = %parallel_loop3A_127 to %parallel_loop3A_128 step %parallel_loop3A_129  : i32 {
          %parallel_loop3A_131 = vector.broadcast %parallel_loop3A_130 : i32 to vector<16xi32>
          %parallel_loop3A_132 = arith.addi %iota3A, %parallel_loop3A_131 : vector<16xi32>
          %parallel_loop3A_133 = arith.constant 127 : i32
          %parallel_loop3A_134 = vector.broadcast %parallel_loop3A_133 : i32 to vector<16xi32>
          %parallel_loop3A_135 = arith.andi %parallel_loop3A_132, %parallel_loop3A_134 : vector<16xi32>
          %parallel_loop3A_136 = arith.addi %parallel_loop3A_114, %parallel_loop3A_135 : vector<16xi32>
          %parallel_loop3A_137 = tpu.vector_load_idx %arg6[%parallel_loop3A_136] : memref<384xf32, #tpu.memory_space<vmem>>[vector<16xi32>], vector<16xf32>,
          %parallel_loop3A_138 = arith.addi %parallel_loop3A_121, %parallel_loop3A_135 : vector<16xi32>
          tpu.vector_store_idx %arg7[%parallel_loop3A_138], %parallel_loop3A_137 : memref<16384xf32, #tpu.memory_space<vmem>>[vector<16xi32>], vector<16xf32>,
        } {sc.loop_unroll_factor = 16 : i64, sc.parallel_access}
      } {sc.loop_unroll_factor = 1 : i64, sc.parallel_access}
      %add3A_49 = arith.addi %mul3A_2, %add3A_44 : i32
      %mul3A_50 = arith.constant 128 : i32
      %mul3A_51 = arith.muli %add3A_49, %mul3A_50 : i32
      %mul3A_52 = arith.constant 128 : i32
      %mul3A_53 = arith.muli %mul3A_51, %mul3A_52 : i32
      %dma_start3A = tpu.memref_slice %arg4[%mul3A_53] : memref<104857600xf32, #tpu.memory_space<hbm>> -> memref<16384xf32, #tpu.memory_space<hbm>>
      %dma_start3A_54 = tpu.memref_slice %arg4[%mul3A_53] : memref<104857600xf32, #tpu.memory_space<hbm>> -> memref<16384xf32, #tpu.memory_space<hbm>>
      tpu.enqueue_dma source(%arg7 : memref<16384xf32, #tpu.memory_space<vmem>>) target(%dma_start3A_54 : memref<16384xf32, #tpu.memory_space<hbm>>) target_semaphore(%arg11 : memref<!tpu.dma_semaphore, #tpu.memory_space<semaphore_mem>>)
      %add3A_55 = arith.constant 1 : i32
      %add3A_56 = arith.addi %add3A_42, %add3A_55 : i32
      %ge3A_57 = arith.constant 4 : i32
      %ge3A_58 = arith.cmpi sge, %add3A_56, %ge3A_57 : i32
      %convert_element_type3A_59 = arith.extui %ge3A_58 : i1 to i32
      %cond3A_60 = arith.constant 0 : i32
      %cond3A_61 = arith.cmpi ne, %convert_element_type3A_59, %cond3A_60 : i32
      scf.if %cond3A_61 {
        %sub3A = arith.constant 4 : i32
        %sub3A_106 = arith.subi %add3A_56, %sub3A : i32
        %add3A_107 = arith.addi %mul3A_2, %sub3A_106 : i32
        %mul3A_108 = arith.constant 128 : i32
        %mul3A_109 = arith.muli %add3A_107, %mul3A_108 : i32
        %mul3A_110 = arith.constant 128 : i32
        %mul3A_111 = arith.muli %mul3A_109, %mul3A_110 : i32
        %dma_wait3A_112 = tpu.memref_slice %arg4[%mul3A_111] : memref<104857600xf32, #tpu.memory_space<hbm>> -> memref<16384xf32, #tpu.memory_space<hbm>>
        %dma_wait3A_113 = tpu.memref_slice %arg4[%mul3A_111] : memref<104857600xf32, #tpu.memory_space<hbm>> -> memref<16384xf32, #tpu.memory_space<hbm>>
        tpu.wait_dma2 semaphore(%arg12 : memref<!tpu.dma_semaphore, #tpu.memory_space<semaphore_mem>>) src(%arg8 : memref<16384xf32, #tpu.memory_space<vmem>>) dst(%dma_wait3A_113 : memref<16384xf32, #tpu.memory_space<hbm>>)
      } else {
      }
      %parallel_loop3A_62 = arith.constant 0 : i32
      %parallel_loop3A_63 = arith.constant 8 : i32
      %parallel_loop3A_64 = arith.constant 1 : i32
      scf.for %parallel_loop3A_106 = %parallel_loop3A_62 to %parallel_loop3A_63 step %parallel_loop3A_64  : i32 {
        %parallel_loop3A_107 = arith.constant 16 : i32
        %parallel_loop3A_108 = arith.muli %parallel_loop3A_106, %parallel_loop3A_107 : i32
        %parallel_loop3A_109 = arith.index_cast %add3A_56 : i32 to index
        %parallel_loop3A_110 = arith.index_cast %parallel_loop3A_108 : i32 to index
        %parallel_loop3A_111 = tpu.vector_load %arg5[%parallel_loop3A_109, %parallel_loop3A_110] {strides = array<i32>} : memref<200x128xi32, #tpu.memory_space<vmem>>, vector<16xi32>,
        %parallel_loop3A_112 = arith.constant 128 : i32
        %parallel_loop3A_113 = vector.broadcast %parallel_loop3A_112 : i32 to vector<16xi32>
        %parallel_loop3A_114 = arith.muli %parallel_loop3A_111, %parallel_loop3A_113 : vector<16xi32>
        %parallel_loop3A_115 = arith.constant 16 : i32
        %parallel_loop3A_116 = arith.muli %parallel_loop3A_106, %parallel_loop3A_115 : i32
        %parallel_loop3A_117 = vector.broadcast %parallel_loop3A_116 : i32 to vector<16xi32>
        %parallel_loop3A_118 = arith.addi %parallel_loop3A_117, %iota3A : vector<16xi32>
        %parallel_loop3A_119 = arith.constant 128 : i32
        %parallel_loop3A_120 = vector.broadcast %parallel_loop3A_119 : i32 to vector<16xi32>
        %parallel_loop3A_121 = arith.muli %parallel_loop3A_118, %parallel_loop3A_120 : vector<16xi32>
        %parallel_loop3A_122 = arith.addi %parallel_loop3A_114, %iota3A : vector<16xi32>
        %parallel_loop3A_123 = arith.addi %parallel_loop3A_121, %iota3A : vector<16xi32>
        %parallel_loop3A_124 = arith.constant 0 : i32
        %parallel_loop3A_125 = arith.constant 112 : i32
        %parallel_loop3A_126 = arith.constant 1 : i32
        scf.for %parallel_loop3A_130 = %parallel_loop3A_124 to %parallel_loop3A_125 step %parallel_loop3A_126  : i32 {
          %parallel_loop3A_131 = vector.broadcast %parallel_loop3A_130 : i32 to vector<16xi32>
          %parallel_loop3A_132 = arith.addi %parallel_loop3A_122, %parallel_loop3A_131 : vector<16xi32>
          %parallel_loop3A_133 = tpu.vector_load_idx %arg6[%parallel_loop3A_132] : memref<384xf32, #tpu.memory_space<vmem>>[vector<16xi32>], vector<16xf32>,
          %parallel_loop3A_134 = vector.broadcast %parallel_loop3A_130 : i32 to vector<16xi32>
          %parallel_loop3A_135 = arith.addi %parallel_loop3A_123, %parallel_loop3A_134 : vector<16xi32>
          tpu.vector_store_idx %arg8[%parallel_loop3A_135], %parallel_loop3A_133 : memref<16384xf32, #tpu.memory_space<vmem>>[vector<16xi32>], vector<16xf32>,
        } {sc.loop_unroll_factor = 16 : i64, sc.parallel_access}
        %parallel_loop3A_127 = arith.constant 112 : i32
        %parallel_loop3A_128 = arith.constant 128 : i32
        %parallel_loop3A_129 = arith.constant 1 : i32
        scf.for %parallel_loop3A_130 = %parallel_loop3A_127 to %parallel_loop3A_128 step %parallel_loop3A_129  : i32 {
          %parallel_loop3A_131 = vector.broadcast %parallel_loop3A_130 : i32 to vector<16xi32>
          %parallel_loop3A_132 = arith.addi %iota3A, %parallel_loop3A_131 : vector<16xi32>
          %parallel_loop3A_133 = arith.constant 127 : i32
          %parallel_loop3A_134 = vector.broadcast %parallel_loop3A_133 : i32 to vector<16xi32>
          %parallel_loop3A_135 = arith.andi %parallel_loop3A_132, %parallel_loop3A_134 : vector<16xi32>
          %parallel_loop3A_136 = arith.addi %parallel_loop3A_114, %parallel_loop3A_135 : vector<16xi32>
          %parallel_loop3A_137 = tpu.vector_load_idx %arg6[%parallel_loop3A_136] : memref<384xf32, #tpu.memory_space<vmem>>[vector<16xi32>], vector<16xf32>,
          %parallel_loop3A_138 = arith.addi %parallel_loop3A_121, %parallel_loop3A_135 : vector<16xi32>
          tpu.vector_store_idx %arg8[%parallel_loop3A_138], %parallel_loop3A_137 : memref<16384xf32, #tpu.memory_space<vmem>>[vector<16xi32>], vector<16xf32>,
        } {sc.loop_unroll_factor = 16 : i64, sc.parallel_access}
      } {sc.loop_unroll_factor = 1 : i64, sc.parallel_access}
      %add3A_65 = arith.addi %mul3A_2, %add3A_56 : i32
      %mul3A_66 = arith.constant 128 : i32
      %mul3A_67 = arith.muli %add3A_65, %mul3A_66 : i32
      %mul3A_68 = arith.constant 128 : i32
      %mul3A_69 = arith.muli %mul3A_67, %mul3A_68 : i32
      %dma_start3A_70 = tpu.memref_slice %arg4[%mul3A_69] : memref<104857600xf32, #tpu.memory_space<hbm>> -> memref<16384xf32, #tpu.memory_space<hbm>>
      %dma_start3A_71 = tpu.memref_slice %arg4[%mul3A_69] : memref<104857600xf32, #tpu.memory_space<hbm>> -> memref<16384xf32, #tpu.memory_space<hbm>>
      tpu.enqueue_dma source(%arg8 : memref<16384xf32, #tpu.memory_space<vmem>>) target(%dma_start3A_71 : memref<16384xf32, #tpu.memory_space<hbm>>) target_semaphore(%arg12 : memref<!tpu.dma_semaphore, #tpu.memory_space<semaphore_mem>>)
      %add3A_72 = arith.constant 2 : i32
      %add3A_73 = arith.addi %add3A_42, %add3A_72 : i32
      %ge3A_74 = arith.constant 4 : i32
      %ge3A_75 = arith.cmpi sge, %add3A_73, %ge3A_74 : i32
      %convert_element_type3A_76 = arith.extui %ge3A_75 : i1 to i32
      %cond3A_77 = arith.constant 0 : i32
      %cond3A_78 = arith.cmpi ne, %convert_element_type3A_76, %cond3A_77 : i32
      scf.if %cond3A_78 {
        %sub3A = arith.constant 4 : i32
        %sub3A_106 = arith.subi %add3A_73, %sub3A : i32
        %add3A_107 = arith.addi %mul3A_2, %sub3A_106 : i32
        %mul3A_108 = arith.constant 128 : i32
        %mul3A_109 = arith.muli %add3A_107, %mul3A_108 : i32
        %mul3A_110 = arith.constant 128 : i32
        %mul3A_111 = arith.muli %mul3A_109, %mul3A_110 : i32
        %dma_wait3A_112 = tpu.memref_slice %arg4[%mul3A_111] : memref<104857600xf32, #tpu.memory_space<hbm>> -> memref<16384xf32, #tpu.memory_space<hbm>>
        %dma_wait3A_113 = tpu.memref_slice %arg4[%mul3A_111] : memref<104857600xf32, #tpu.memory_space<hbm>> -> memref<16384xf32, #tpu.memory_space<hbm>>
        tpu.wait_dma2 semaphore(%arg13 : memref<!tpu.dma_semaphore, #tpu.memory_space<semaphore_mem>>) src(%arg9 : memref<16384xf32, #tpu.memory_space<vmem>>) dst(%dma_wait3A_113 : memref<16384xf32, #tpu.memory_space<hbm>>)
      } else {
      }
      %parallel_loop3A_79 = arith.constant 0 : i32
      %parallel_loop3A_80 = arith.constant 8 : i32
      %parallel_loop3A_81 = arith.constant 1 : i32
      scf.for %parallel_loop3A_106 = %parallel_loop3A_79 to %parallel_loop3A_80 step %parallel_loop3A_81  : i32 {
        %parallel_loop3A_107 = arith.constant 16 : i32
        %parallel_loop3A_108 = arith.muli %parallel_loop3A_106, %parallel_loop3A_107 : i32
        %parallel_loop3A_109 = arith.index_cast %add3A_73 : i32 to index
        %parallel_loop3A_110 = arith.index_cast %parallel_loop3A_108 : i32 to index
        %parallel_loop3A_111 = tpu.vector_load %arg5[%parallel_loop3A_109, %parallel_loop3A_110] {strides = array<i32>} : memref<200x128xi32, #tpu.memory_space<vmem>>, vector<16xi32>,
        %parallel_loop3A_112 = arith.constant 128 : i32
        %parallel_loop3A_113 = vector.broadcast %parallel_loop3A_112 : i32 to vector<16xi32>
        %parallel_loop3A_114 = arith.muli %parallel_loop3A_111, %parallel_loop3A_113 : vector<16xi32>
        %parallel_loop3A_115 = arith.constant 16 : i32
        %parallel_loop3A_116 = arith.muli %parallel_loop3A_106, %parallel_loop3A_115 : i32
        %parallel_loop3A_117 = vector.broadcast %parallel_loop3A_116 : i32 to vector<16xi32>
        %parallel_loop3A_118 = arith.addi %parallel_loop3A_117, %iota3A : vector<16xi32>
        %parallel_loop3A_119 = arith.constant 128 : i32
        %parallel_loop3A_120 = vector.broadcast %parallel_loop3A_119 : i32 to vector<16xi32>
        %parallel_loop3A_121 = arith.muli %parallel_loop3A_118, %parallel_loop3A_120 : vector<16xi32>
        %parallel_loop3A_122 = arith.addi %parallel_loop3A_114, %iota3A : vector<16xi32>
        %parallel_loop3A_123 = arith.addi %parallel_loop3A_121, %iota3A : vector<16xi32>
        %parallel_loop3A_124 = arith.constant 0 : i32
        %parallel_loop3A_125 = arith.constant 112 : i32
        %parallel_loop3A_126 = arith.constant 1 : i32
        scf.for %parallel_loop3A_130 = %parallel_loop3A_124 to %parallel_loop3A_125 step %parallel_loop3A_126  : i32 {
          %parallel_loop3A_131 = vector.broadcast %parallel_loop3A_130 : i32 to vector<16xi32>
          %parallel_loop3A_132 = arith.addi %parallel_loop3A_122, %parallel_loop3A_131 : vector<16xi32>
          %parallel_loop3A_133 = tpu.vector_load_idx %arg6[%parallel_loop3A_132] : memref<384xf32, #tpu.memory_space<vmem>>[vector<16xi32>], vector<16xf32>,
          %parallel_loop3A_134 = vector.broadcast %parallel_loop3A_130 : i32 to vector<16xi32>
          %parallel_loop3A_135 = arith.addi %parallel_loop3A_123, %parallel_loop3A_134 : vector<16xi32>
          tpu.vector_store_idx %arg9[%parallel_loop3A_135], %parallel_loop3A_133 : memref<16384xf32, #tpu.memory_space<vmem>>[vector<16xi32>], vector<16xf32>,
        } {sc.loop_unroll_factor = 16 : i64, sc.parallel_access}
        %parallel_loop3A_127 = arith.constant 112 : i32
        %parallel_loop3A_128 = arith.constant 128 : i32
        %parallel_loop3A_129 = arith.constant 1 : i32
        scf.for %parallel_loop3A_130 = %parallel_loop3A_127 to %parallel_loop3A_128 step %parallel_loop3A_129  : i32 {
          %parallel_loop3A_131 = vector.broadcast %parallel_loop3A_130 : i32 to vector<16xi32>
          %parallel_loop3A_132 = arith.addi %iota3A, %parallel_loop3A_131 : vector<16xi32>
          %parallel_loop3A_133 = arith.constant 127 : i32
          %parallel_loop3A_134 = vector.broadcast %parallel_loop3A_133 : i32 to vector<16xi32>
          %parallel_loop3A_135 = arith.andi %parallel_loop3A_132, %parallel_loop3A_134 : vector<16xi32>
          %parallel_loop3A_136 = arith.addi %parallel_loop3A_114, %parallel_loop3A_135 : vector<16xi32>
          %parallel_loop3A_137 = tpu.vector_load_idx %arg6[%parallel_loop3A_136] : memref<384xf32, #tpu.memory_space<vmem>>[vector<16xi32>], vector<16xf32>,
          %parallel_loop3A_138 = arith.addi %parallel_loop3A_121, %parallel_loop3A_135 : vector<16xi32>
          tpu.vector_store_idx %arg9[%parallel_loop3A_138], %parallel_loop3A_137 : memref<16384xf32, #tpu.memory_space<vmem>>[vector<16xi32>], vector<16xf32>,
        } {sc.loop_unroll_factor = 16 : i64, sc.parallel_access}
      } {sc.loop_unroll_factor = 1 : i64, sc.parallel_access}
      %add3A_82 = arith.addi %mul3A_2, %add3A_73 : i32
      %mul3A_83 = arith.constant 128 : i32
      %mul3A_84 = arith.muli %add3A_82, %mul3A_83 : i32
      %mul3A_85 = arith.constant 128 : i32
      %mul3A_86 = arith.muli %mul3A_84, %mul3A_85 : i32
      %dma_start3A_87 = tpu.memref_slice %arg4[%mul3A_86] : memref<104857600xf32, #tpu.memory_space<hbm>> -> memref<16384xf32, #tpu.memory_space<hbm>>
      %dma_start3A_88 = tpu.memref_slice %arg4[%mul3A_86] : memref<104857600xf32, #tpu.memory_space<hbm>> -> memref<16384xf32, #tpu.memory_space<hbm>>
      tpu.enqueue_dma source(%arg9 : memref<16384xf32, #tpu.memory_space<vmem>>) target(%dma_start3A_88 : memref<16384xf32, #tpu.memory_space<hbm>>) target_semaphore(%arg13 : memref<!tpu.dma_semaphore, #tpu.memory_space<semaphore_mem>>)
      %add3A_89 = arith.constant 3 : i32
      %add3A_90 = arith.addi %add3A_42, %add3A_89 : i32
      %ge3A_91 = arith.constant 4 : i32
      %ge3A_92 = arith.cmpi sge, %add3A_90, %ge3A_91 : i32
      %convert_element_type3A_93 = arith.extui %ge3A_92 : i1 to i32
      %cond3A_94 = arith.constant 0 : i32
      %cond3A_95 = arith.cmpi ne, %convert_element_type3A_93, %cond3A_94 : i32
      scf.if %cond3A_95 {
        %sub3A = arith.constant 4 : i32
        %sub3A_106 = arith.subi %add3A_90, %sub3A : i32
        %add3A_107 = arith.addi %mul3A_2, %sub3A_106 : i32
        %mul3A_108 = arith.constant 128 : i32
        %mul3A_109 = arith.muli %add3A_107, %mul3A_108 : i32
        %mul3A_110 = arith.constant 128 : i32
        %mul3A_111 = arith.muli %mul3A_109, %mul3A_110 : i32
        %dma_wait3A_112 = tpu.memref_slice %arg4[%mul3A_111] : memref<104857600xf32, #tpu.memory_space<hbm>> -> memref<16384xf32, #tpu.memory_space<hbm>>
        %dma_wait3A_113 = tpu.memref_slice %arg4[%mul3A_111] : memref<104857600xf32, #tpu.memory_space<hbm>> -> memref<16384xf32, #tpu.memory_space<hbm>>
        tpu.wait_dma2 semaphore(%arg14 : memref<!tpu.dma_semaphore, #tpu.memory_space<semaphore_mem>>) src(%arg10 : memref<16384xf32, #tpu.memory_space<vmem>>) dst(%dma_wait3A_113 : memref<16384xf32, #tpu.memory_space<hbm>>)
      } else {
      }
      %parallel_loop3A_96 = arith.constant 0 : i32
      %parallel_loop3A_97 = arith.constant 8 : i32
      %parallel_loop3A_98 = arith.constant 1 : i32
      scf.for %parallel_loop3A_106 = %parallel_loop3A_96 to %parallel_loop3A_97 step %parallel_loop3A_98  : i32 {
        %parallel_loop3A_107 = arith.constant 16 : i32
        %parallel_loop3A_108 = arith.muli %parallel_loop3A_106, %parallel_loop3A_107 : i32
        %parallel_loop3A_109 = arith.index_cast %add3A_90 : i32 to index
        %parallel_loop3A_110 = arith.index_cast %parallel_loop3A_108 : i32 to index
        %parallel_loop3A_111 = tpu.vector_load %arg5[%parallel_loop3A_109, %parallel_loop3A_110] {strides = array<i32>} : memref<200x128xi32, #tpu.memory_space<vmem>>, vector<16xi32>,
        %parallel_loop3A_112 = arith.constant 128 : i32
        %parallel_loop3A_113 = vector.broadcast %parallel_loop3A_112 : i32 to vector<16xi32>
        %parallel_loop3A_114 = arith.muli %parallel_loop3A_111, %parallel_loop3A_113 : vector<16xi32>
        %parallel_loop3A_115 = arith.constant 16 : i32
        %parallel_loop3A_116 = arith.muli %parallel_loop3A_106, %parallel_loop3A_115 : i32
        %parallel_loop3A_117 = vector.broadcast %parallel_loop3A_116 : i32 to vector<16xi32>
        %parallel_loop3A_118 = arith.addi %parallel_loop3A_117, %iota3A : vector<16xi32>
        %parallel_loop3A_119 = arith.constant 128 : i32
        %parallel_loop3A_120 = vector.broadcast %parallel_loop3A_119 : i32 to vector<16xi32>
        %parallel_loop3A_121 = arith.muli %parallel_loop3A_118, %parallel_loop3A_120 : vector<16xi32>
        %parallel_loop3A_122 = arith.addi %parallel_loop3A_114, %iota3A : vector<16xi32>
        %parallel_loop3A_123 = arith.addi %parallel_loop3A_121, %iota3A : vector<16xi32>
        %parallel_loop3A_124 = arith.constant 0 : i32
        %parallel_loop3A_125 = arith.constant 112 : i32
        %parallel_loop3A_126 = arith.constant 1 : i32
        scf.for %parallel_loop3A_130 = %parallel_loop3A_124 to %parallel_loop3A_125 step %parallel_loop3A_126  : i32 {
          %parallel_loop3A_131 = vector.broadcast %parallel_loop3A_130 : i32 to vector<16xi32>
          %parallel_loop3A_132 = arith.addi %parallel_loop3A_122, %parallel_loop3A_131 : vector<16xi32>
          %parallel_loop3A_133 = tpu.vector_load_idx %arg6[%parallel_loop3A_132] : memref<384xf32, #tpu.memory_space<vmem>>[vector<16xi32>], vector<16xf32>,
          %parallel_loop3A_134 = vector.broadcast %parallel_loop3A_130 : i32 to vector<16xi32>
          %parallel_loop3A_135 = arith.addi %parallel_loop3A_123, %parallel_loop3A_134 : vector<16xi32>
          tpu.vector_store_idx %arg10[%parallel_loop3A_135], %parallel_loop3A_133 : memref<16384xf32, #tpu.memory_space<vmem>>[vector<16xi32>], vector<16xf32>,
        } {sc.loop_unroll_factor = 16 : i64, sc.parallel_access}
        %parallel_loop3A_127 = arith.constant 112 : i32
        %parallel_loop3A_128 = arith.constant 128 : i32
        %parallel_loop3A_129 = arith.constant 1 : i32
        scf.for %parallel_loop3A_130 = %parallel_loop3A_127 to %parallel_loop3A_128 step %parallel_loop3A_129  : i32 {
          %parallel_loop3A_131 = vector.broadcast %parallel_loop3A_130 : i32 to vector<16xi32>
          %parallel_loop3A_132 = arith.addi %iota3A, %parallel_loop3A_131 : vector<16xi32>
          %parallel_loop3A_133 = arith.constant 127 : i32
          %parallel_loop3A_134 = vector.broadcast %parallel_loop3A_133 : i32 to vector<16xi32>
          %parallel_loop3A_135 = arith.andi %parallel_loop3A_132, %parallel_loop3A_134 : vector<16xi32>
          %parallel_loop3A_136 = arith.addi %parallel_loop3A_114, %parallel_loop3A_135 : vector<16xi32>
          %parallel_loop3A_137 = tpu.vector_load_idx %arg6[%parallel_loop3A_136] : memref<384xf32, #tpu.memory_space<vmem>>[vector<16xi32>], vector<16xf32>,
          %parallel_loop3A_138 = arith.addi %parallel_loop3A_121, %parallel_loop3A_135 : vector<16xi32>
          tpu.vector_store_idx %arg10[%parallel_loop3A_138], %parallel_loop3A_137 : memref<16384xf32, #tpu.memory_space<vmem>>[vector<16xi32>], vector<16xf32>,
        } {sc.loop_unroll_factor = 16 : i64, sc.parallel_access}
      } {sc.loop_unroll_factor = 1 : i64, sc.parallel_access}
      %add3A_99 = arith.addi %mul3A_2, %add3A_90 : i32
      %mul3A_100 = arith.constant 128 : i32
      %mul3A_101 = arith.muli %add3A_99, %mul3A_100 : i32
      %mul3A_102 = arith.constant 128 : i32
      %mul3A_103 = arith.muli %mul3A_101, %mul3A_102 : i32
      %dma_start3A_104 = tpu.memref_slice %arg4[%mul3A_103] : memref<104857600xf32, #tpu.memory_space<hbm>> -> memref<16384xf32, #tpu.memory_space<hbm>>
      %dma_start3A_105 = tpu.memref_slice %arg4[%mul3A_103] : memref<104857600xf32, #tpu.memory_space<hbm>> -> memref<16384xf32, #tpu.memory_space<hbm>>
      tpu.enqueue_dma source(%arg10 : memref<16384xf32, #tpu.memory_space<vmem>>) target(%dma_start3A_105 : memref<16384xf32, #tpu.memory_space<hbm>>) target_semaphore(%arg14 : memref<!tpu.dma_semaphore, #tpu.memory_space<semaphore_mem>>)
    }
    %scan3A_6 = arith.constant 50 : i32
    %add3A_7 = arith.constant 196 : i32
    %add3A_8 = arith.addi %mul3A_2, %add3A_7 : i32
    %mul3A_9 = arith.constant 128 : i32
    %mul3A_10 = arith.muli %add3A_8, %mul3A_9 : i32
    %mul3A_11 = arith.constant 128 : i32
    %mul3A_12 = arith.muli %mul3A_10, %mul3A_11 : i32
    %dma_wait3A = tpu.memref_slice %arg4[%mul3A_12] : memref<104857600xf32, #tpu.memory_space<hbm>> -> memref<16384xf32, #tpu.memory_space<hbm>>
    %dma_wait3A_13 = tpu.memref_slice %arg4[%mul3A_12] : memref<104857600xf32, #tpu.memory_space<hbm>> -> memref<16384xf32, #tpu.memory_space<hbm>>
    tpu.wait_dma2 semaphore(%arg11 : memref<!tpu.dma_semaphore, #tpu.memory_space<semaphore_mem>>) src(%arg7 : memref<16384xf32, #tpu.memory_space<vmem>>) dst(%dma_wait3A_13 : memref<16384xf32, #tpu.memory_space<hbm>>)
    %add3A_14 = arith.constant 197 : i32
    %add3A_15 = arith.addi %mul3A_2, %add3A_14 : i32
    %mul3A_16 = arith.constant 128 : i32
    %mul3A_17 = arith.muli %add3A_15, %mul3A_16 : i32
    %mul3A_18 = arith.constant 128 : i32
    %mul3A_19 = arith.muli %mul3A_17, %mul3A_18 : i32
    %dma_wait3A_20 = tpu.memref_slice %arg4[%mul3A_19] : memref<104857600xf32, #tpu.memory_space<hbm>> -> memref<16384xf32, #tpu.memory_space<hbm>>
    %dma_wait3A_21 = tpu.memref_slice %arg4[%mul3A_19] : memref<104857600xf32, #tpu.memory_space<hbm>> -> memref<16384xf32, #tpu.memory_space<hbm>>
    tpu.wait_dma2 semaphore(%arg12 : memref<!tpu.dma_semaphore, #tpu.memory_space<semaphore_mem>>) src(%arg8 : memref<16384xf32, #tpu.memory_space<vmem>>) dst(%dma_wait3A_21 : memref<16384xf32, #tpu.memory_space<hbm>>)
    %add3A_22 = arith.constant 198 : i32
    %add3A_23 = arith.addi %mul3A_2, %add3A_22 : i32
    %mul3A_24 = arith.constant 128 : i32
    %mul3A_25 = arith.muli %add3A_23, %mul3A_24 : i32
    %mul3A_26 = arith.constant 128 : i32
    %mul3A_27 = arith.muli %mul3A_25, %mul3A_26 : i32
    %dma_wait3A_28 = tpu.memref_slice %arg4[%mul3A_27] : memref<104857600xf32, #tpu.memory_space<hbm>> -> memref<16384xf32, #tpu.memory_space<hbm>>
    %dma_wait3A_29 = tpu.memref_slice %arg4[%mul3A_27] : memref<104857600xf32, #tpu.memory_space<hbm>> -> memref<16384xf32, #tpu.memory_space<hbm>>
    tpu.wait_dma2 semaphore(%arg13 : memref<!tpu.dma_semaphore, #tpu.memory_space<semaphore_mem>>) src(%arg9 : memref<16384xf32, #tpu.memory_space<vmem>>) dst(%dma_wait3A_29 : memref<16384xf32, #tpu.memory_space<hbm>>)
    %add3A_30 = arith.constant 199 : i32
    %add3A_31 = arith.addi %mul3A_2, %add3A_30 : i32
    %mul3A_32 = arith.constant 128 : i32
    %mul3A_33 = arith.muli %add3A_31, %mul3A_32 : i32
    %mul3A_34 = arith.constant 128 : i32
    %mul3A_35 = arith.muli %mul3A_33, %mul3A_34 : i32
    %dma_wait3A_36 = tpu.memref_slice %arg4[%mul3A_35] : memref<104857600xf32, #tpu.memory_space<hbm>> -> memref<16384xf32, #tpu.memory_space<hbm>>
    %dma_wait3A_37 = tpu.memref_slice %arg4[%mul3A_35] : memref<104857600xf32, #tpu.memory_space<hbm>> -> memref<16384xf32, #tpu.memory_space<hbm>>
    tpu.wait_dma2 semaphore(%arg14 : memref<!tpu.dma_semaphore, #tpu.memory_space<semaphore_mem>>) src(%arg10 : memref<16384xf32, #tpu.memory_space<vmem>>) dst(%dma_wait3A_37 : memref<16384xf32, #tpu.memory_space<hbm>>)
    return
  }
}

</mosaic_0001>

<sc_bundles>
// kernel: _emb_lookup.3.cloned.1.call-start
scs
__scs_entry_jumppad:
0x0: {  	(pc) =	sbr.rel $0x88, $3  }
0x1: {  	(tag) =	ssettag $0x0;
	lr =	simm.s32 $0x1  }
0x2: {  	[smem:$0x3F9F] =	sst lr;
	_ =	strace $0xD0000000  }
0x3: {  	_ = 	snop  }
0x4: {  	_ = 	snop  }
0x5: {  	_ = 	snop  }
0x6: {  	_ = 	snop  }
0x7: {  	_ = 	snop  }
__scs_overlays_trampoline_lowered:
0x8: {  	[smem:$0x3FAE] =	sst s0  }
0x9: {  	[smem:$0x3FAF] =	sst s1  }
0xa: {  	[smem:$0x3FB0] =	sst s2  }
0xb: {  	[smem:$0x3FB1] =	sst s3  }
0xc: {  	[smem:$0x3FB2] =	sst s4  }
0xd: {  	[smem:$0x3FB3] =	sst s5  }
0xe: {  	[smem:$0x3FB4] =	sst s6  }
0xf: {  	[smem:$0x3FB5] =	sst s7  }
0x10: {  	[smem:$0x3FB6] =	sst s8  }
0x11: {  	[smem:$0x3FB7] =	sst s9;
	s0 =	simm.s32 @!p0 $0x0  }
0x12: {  	s1 =	sld [smem:$0x3F9D];
	s0 =	simm.s32 @p0 $0x1  }
0x13: {  	[smem:$0x3FB8] =	sst s0;
	s0 =	simm.s32 @!p1 $0x0  }
0x14: {  	s2 =	sld [smem:$0x3F9C];
	s0 =	simm.s32 @p1 $0x1  }
0x15: {  	[smem:$0x3FB9] =	sst s0;
	s0 =	simm.s32 @!p2 $0x0  }
0x16: {  	s3 =	sld [smem:$0x3FDB];
	s0 =	simm.s32 @p2 $0x1  }
0x17: {  	s4 =	simm.s32 $0x1BF5;
	[smem:$0x3FBB] =	sst s0  }
0x18: {  	s0 =	sld [smem:$0x3F9E];
	_ =	swait.ge [sflag:s4], $0x0  }
0x19: {  	s7 =	sld [smem:$0x3F9F]  }
0x1a: {  	s8 =	sadd.s32 $0xFFFFE003, lr  }
0x1b: {  	s9 =	sadd.s32 $0xFFFFFEF7, lr;
	s5 =	simm.s32 $0xFFFFFFFF;
	p2 =	slt.u32 s8, $0xFFFFF086  }
0x1c: {  	p1 =	slt.u32 s9, $0xF7A;
	s5 =	simm.s32 @!p2 $0x0  }
0x1d: {  	s5 =	simm.s32 @p1 $0x1;
	p0 =	seq.s32 s7, s2  }
0x1e: {  	s7 =	smul.u32 @!p0 $0xF7A, s2;
	p2 =	seq.s32 @!p0 s5, $0x0  }
0x1f: {  	s9 =	smul.u32 $0xF7A, s1;
	s8 =	simm.s32 @!p0 $0x1BF5;
	p2 =	por !p2, p0  }
0x20: {  	[sflag:s8] =	ssyncset.s32 @!p0 $0xFFFFF086;
	s6 =	sadd.s32 @!p0 s3, s7;
	s7 =	simm.s32 @!p0 $0x108  }
0x21: {  	s3 =	sadd.s32 s3, s9;
	s6 =	sadd.s32 @!p0 $0x88, s6;
	s7 =	simm.s32 @p2 $0x1082  }
0x22: {  	[simem:s7], [sflag:s8] =	dma.local @!p0 [hbm:s6], $0xF7A  }
0x23: {  	s9 =	sor.u32 $0xD0000000, s2;
	s6 =	simm.s32 $0x108;
	_ =	swait.ge @!p0 [sflag:s8], $0x0  }
0x24: {  	s3 =	sadd.s32 $0x88, s3;
	s6 =	simm.s32 @!p1 $0x1082;
	[sflag:s4] =	ssyncset.s32 $0xFFFFF086  }
0x25: {  	[simem:s6], [sflag:s4] =	dma.local [hbm:s3], $0xF7A  }
0x26: {  	[smem:$0x3F9F] =	sst s1;
	(tag) =	ssettag s2;
	_ =	strace s9  }
0x27: {  	s1 =	sld [smem:$0x3FAF]  }
0x28: {  	s2 =	sld [smem:$0x3FB0]  }
0x29: {  	s4 =	sld [smem:$0x3FB2]  }
0x2a: {  	p0 =	seq.s32 s5, $0x0;
	s5 =	sld [smem:$0x3FB3]  }
0x2b: {  	s6 =	sld [smem:$0x3FB4]  }
0x2c: {  	s7 =	sld [smem:$0x3FB5]  }
0x2d: {  	s3 =	simm.s32 $0x108;
	s8 =	sld [smem:$0x3FB6]  }
0x2e: {  	s3 =	simm.s32 @!p0 $0x1082;
	s9 =	sld [smem:$0x3FB7]  }
0x2f: {  	lr =	sadd.s32 s0, s3;
	s0 =	sld [smem:$0x3FAE]  }
0x30: {  	s3 =	sld [smem:$0x3FB1]  }
0x31: {  	[smem:$0x3FBA] =	sst s10  }
0x32: {  	s10 =	sld [smem:$0x3FB8];
	_ =	sdelay $0x3  }
0x33: {  	p0 =	seq.s32 s10, $0x1;
	s10 =	sld [smem:$0x3FBA];
	_ =	sdelay $0x3  }
0x34: {  	[smem:$0x3FBA] =	sst s10  }
0x35: {  	s10 =	sld [smem:$0x3FB9];
	_ =	sdelay $0x3  }
0x36: {  	p1 =	seq.s32 s10, $0x1;
	s10 =	sld [smem:$0x3FBA];
	_ =	sdelay $0x3  }
0x37: {  	[smem:$0x3FBA] =	sst s10  }
0x38: {  	s10 =	sld [smem:$0x3FBB]  }
0x39: {  	_ = 	snop;
	(pc) =	sbr.ind lr, $3  }
0x3a: {  	_ = 	snop  }
0x3b: {  	_ = 	snop  }
0x3c: {  	p2 =	seq.s32 s10, $0x1;
	s10 =	sld [smem:$0x3FBA]  }
0x3d: {  	_ =	shalt  }
0x3e: {  	_ =	shalt  }
0x3f: {  	_ =	shalt  }
0x40: {  	_ =	shalt  }
0x41: {  	_ =	shalt  }
0x42: {  	_ =	shalt  }
0x43: {  	_ =	shalt  }
0x44: {  	_ =	shalt  }
0x45: {  	_ =	shalt  }
0x46: {  	_ =	shalt  }
0x47: {  	_ =	shalt  }
0x48: {  	_ =	shalt  }
0x49: {  	_ =	shalt  }
0x4a: {  	_ =	shalt  }
0x4b: {  	_ =	shalt  }
0x4c: {  	_ =	shalt  }
0x4d: {  	_ =	shalt  }
0x4e: {  	_ =	shalt  }
0x4f: {  	_ =	shalt  }
0x50: {  	_ =	shalt  }
0x51: {  	_ =	shalt  }
0x52: {  	_ =	shalt  }
0x53: {  	_ =	shalt  }
0x54: {  	_ =	shalt  }
0x55: {  	_ =	shalt  }
0x56: {  	_ =	shalt  }
0x57: {  	_ =	shalt  }
0x58: {  	_ =	shalt  }
0x59: {  	_ =	shalt  }
0x5a: {  	_ =	shalt  }
0x5b: {  	_ =	shalt  }
0x5c: {  	_ =	shalt  }
0x5d: {  	_ =	shalt  }
0x5e: {  	_ =	shalt  }
0x5f: {  	_ =	shalt  }
0x60: {  	_ =	shalt  }
0x61: {  	_ =	shalt  }
0x62: {  	_ =	shalt  }
0x63: {  	_ =	shalt  }
0x64: {  	_ =	shalt  }
0x65: {  	_ =	shalt  }
0x66: {  	_ =	shalt  }
0x67: {  	_ =	shalt  }
0x68: {  	_ =	shalt  }
0x69: {  	_ =	shalt  }
0x6a: {  	_ =	shalt  }
0x6b: {  	_ =	shalt  }
0x6c: {  	_ =	shalt  }
0x6d: {  	_ =	shalt  }
0x6e: {  	_ =	shalt  }
0x6f: {  	_ =	shalt  }
0x70: {  	_ =	shalt  }
0x71: {  	_ =	shalt  }
0x72: {  	_ =	shalt  }
0x73: {  	_ =	shalt  }
0x74: {  	_ =	shalt  }
0x75: {  	_ =	shalt  }
0x76: {  	_ =	shalt  }
0x77: {  	_ =	shalt  }
0x78: {  	_ =	shalt  }
0x79: {  	_ =	shalt  }
0x7a: {  	_ =	shalt  }
0x7b: {  	_ =	shalt  }
0x7c: {  	_ =	shalt  }
0x7d: {  	_ =	shalt  }
0x7e: {  	_ =	shalt  }
0x7f: {  	_ =	shalt  }
0x80: {  	_ =	shalt  }
0x81: {  	_ =	shalt  }
0x82: {  	_ =	shalt  }
0x83: {  	_ =	shalt  }
0x84: {  	_ =	shalt  }
0x85: {  	_ =	shalt  }
0x86: {  	_ =	shalt  }
0x87: {  	_ =	shalt  }
.Lfunc_end0:
.L_simem_size_0:
called_computation_lowered:
.L_overlay_start_0:
0x88: {  	s2 =	sld [smem:$0x3FD9]  }
0x89: {  	s3 =	sld [smem:$0x3FFE];
	_ =	sdelay $0x1  }
0x8a: {  	s1 =	srdreg.scid  }
0x8b: {  	s0 =	sand.u32 $0x1, s1  }
0x8c: {  	s18 =	sshll.u32 s0, $0xA;
	s2 =	sadd.s32 s3, s2  }
0x8d: {  	s2 =	sadd.s32 s2, s18  }
0x8e: {  	[smem:$0x3FC6] =	sst s2  }
0x8f: {  	_ = 	snop  }
0x90: {  	s2 =	sld [smem:$0x3FC9]  }
0x91: {  	s19 =	sld [smem:$0x3FC8]  }
0x92: {  	s4 =	sld [smem:$0x3FD0];
	(tm) =	ssettm $0x1  }
0x93: {  	s5 =	sld [smem:$0x3FFB];
	_ =	sdelay $0x3  }
0x94: {  	_ =	strace s5  }
0x95: {  	s5 =	sld [smem:$0x3FFC];
	_ =	sdelay $0x3  }
0x96: {  	_ =	strace s5  }
0x97: {  	s5 =	sld [smem:$0x3FFD];
	_ =	sdelay $0x3  }
0x98: {  	_ =	strace s5  }
0x99: {  	_ =	strace $0x8FFFFFFF  }
0x9a: {  	s20 =	sld [smem:$0x3FDB];
	_ =	sdelay $0x1  }
0x9b: {  	s6 =	simm.s32 $_scs_section_size  }
0x9c: {  	s7 =	simm.s32 $_size__tile_overlayer_lowered;
	s8 =	simm.s32 $_tile_overlayer_lowered  }
0x9d: {  	s23 =	simm.s32 $0x1BFF;
	s22 =	sshll.u32 s8, $0x1;
	s5 =	sadd.s32 s6, s20  }
0x9e: {  	s9 =	simm.s32 $0x0;
	s21 =	sshll.u32 s7, $0x1;
	s7 =	sadd.s32 s22, s5  }
0x9f: {  	[timem:s9], [sflag:s23] =	dma.local [hbm:s7], s21  }
0xa0: {  	_ =	swait.ge [sflag:s23], s21  }
0xa1: {  	s6 =	ssub.s32 $0x0, s21;
	[sflag:s23] =	ssyncset.done $0x0  }
0xa2: {  	[sflag:s23] =	ssyncadd.s32 s6;
	_ =	sdelay $0x1  }
0xa3: {  	s24 =	simm.s32 $0x1B8B  }
0xa4: {  	_ =	swait.ge [sflag:s24], $0x1  }
0xa5: {  	[sflag:s24] =	ssyncset.done $0x0  }
0xa6: {  	s25 =	simm.s32 $0x1B8E;
	[sflag:s24] =	ssyncadd.s32 $0xFFFFFFFF  }
0xa7: {  	s26 =	simm.s32 $execute0_lowered;
	[smem:$0x3FD2] =	sst s25  }
0xa8: {  	s6 =	sshll.u32 s26, $0x1;
	_ =	strace $0x80000046;
	[dreg:$0x1] =	wrdreg $0xFFFFFFFF  }
0xa9: {  	s28 =	simm.s32 $_size_execute0_lowered;
	s5 =	sadd.s32 s5, s6;
	[dreg:$0x0] =	wrdreg $0x0  }
0xaa: {  	s6 =	sshll.u32 s28, $0x1;
	[dreg:$0x2] =	wrdreg s5  }
0xab: {  	[dreg:$0x3] =	wrdreg s6  }
0xac: {  	[dreg:$0x4] =	wrdreg $0xC0  }
0xad: {  	_ =	task [dreg:s9], $0x5FFFF  }
0xae: {  	[dreg:$0x1] =	wrdreg $0xFFFFFFFF  }
0xaf: {  	[dreg:$0x0] =	wrdreg $0x60  }
0xb0: {  	[dreg:$0x2] =	wrdreg s2  }
0xb1: {  	[dreg:$0x3] =	wrdreg s19  }
0xb2: {  	[dreg:$0x4] =	wrdreg s4  }
0xb3: {  	[dreg:$0x5] =	wrdreg $0x9  }
0xb4: {  	_ =	task.clear_ibuf [dreg:s9], $0x6FFFF;
	_ =	strace $0x90000046  }
0xb5: {  	s29 =	simm.s32 $0x9;
	_ =	strace $0x80000048  }
0xb6: {  	_ =	swait.ge [sflag:s29], $0x1  }
0xb7: {  	[sflag:s29] =	ssyncadd.s32 $0xFFFFFFFF  }
0xb8: {  	_ =	strace $0x90000048  }
0xb9: {  	_ =	sfence  }
0xba: {  	s30 =	sld [smem:$0x0];
	_ =	sdelay $0x2  }
0xbb: {  	s31 =	sshll.u32 s1, $0xD;
	s1 =	sshrl.u32 s1, $0x2  }
0xbc: {  	s3 =	sand.u32 $0x4000, s31;
	s1 =	sadd.s32 s1, s30  }
0xbd: {  	s0 =	sor.u32 s3, s0;
	s1 =	sshll.u32 s1, $0x11  }
0xbe: {  	s0 =	sor.u32 s1, s0  }
0xbf: {  	s0 =	sadd.s32 $0x8F2B, s0  }
0xc0: {  	[sflag:s0] =	ssyncadd.remote.s32 $0x1  }
0xc1: {  	_ =	sfence.sel $0xFFFF  }
0xc2: {  	[dreg:$0x0] =	wrdreg $0xFFFFFFFF;
	(pc) =	sbr.abs _section_cstart, $3  }
0xc3: {  	[dreg:$0x1] =	wrdreg $0xFFFFFFFF  }
0xc4: {  	_ =	task.clear_ibuf [dreg:s9], $0x2FFFF;
	_ =	strace $0x9FFFFFFF  }
0xc5: {  	(tm) =	ssettm $0x7FFFFFFF  }
tec
execute0_lowered:
.L_overlay_start_1:
0x0: {  	(tag) =	ssettag $0x1  }
0x1: {  	v0 =	vlaneseq.u32;
	v2 =	vimm.s32 $0x74737271;
	v3 =	vimm.s32 $0x78777675  }
0x2: {  	v4 =	vimm.s32 $0x7C7B7A79;
	v6 =	vimm.s32 $0x79787776;
	vm0 =	vcmask $0x1F10  }
0x3: {  	v7 =	vimm.s32 $0x7D7C7B7A;
	v9 =	vimm.s32 $0x76757473;
	v11 =	vimm.s32 $0x7A797877  }
0x4: {  	v14 =	vimm.s32 $0x201007F;
	v15 =	vimm.s32 $0x3020100;
	v16 =	vimm.s32 $0x7F7E7D7C  }
0x5: {  	v17 =	vimm.s32 $0x77767574;
	v18 =	vimm.s32 $0x7B7A7978;
	v23 =	vimm.s32 $0x6050403  }
0x6: {  	v60 =	vimm.s32 $0x32107654;
	v61 =	vimm.s32 $0x6543A987;
	vm15 =	vcmask $0x2F10  }
0x7: {  	v2 =	vunpack.c.0.s8.s32 v2;
	v5 =	vunpack.c.0.s8.s32 v3;
	v3 =	vimm.s32 $0x7F7E7D  }
0x8: {  	v4 =	vunpack.c.0.s8.s32 v4;
	v12 =	vunpack.c.0.s8.s32 v3;
	v3 =	vimm.s32 $0x75747372  }
0x9: {  	v6 =	vunpack.c.0.s8.s32 v6;
	v7 =	vunpack.c.0.s8.s32 v7;
	v3 =	vunpack.c.0.s8.s32 v3  }
0xa: {  	v14 =	vunpack.c.0.s8.s32 v14;
	v15 =	vunpack.c.0.s8.s32 v15;
	v16 =	vunpack.c.0.s8.s32 v16  }
0xb: {  	v17 =	vunpack.c.0.s8.s32 v17;
	v8 =	vsel vm0, v6, v3;
	v3 =	vimm.s32 $0x1007F7E  }
0xc: {  	v18 =	vunpack.c.0.s8.s32 v18;
	v2 =	vsel vm0, v5, v2;
	v13 =	vunpack.c.0.s8.s32 v3  }
0xd: {  	v3 =	vunpack.c.0.s8.s32 v9;
	v9 =	vunpack.c.0.s8.s32 v11;
	v11 =	vimm.s32 $0x7E7D7C7B  }
0xe: {  	v22 =	vsel vm0, v4, v5;
	v10 =	vsel vm0, v12, v4;
	v11 =	vunpack.c.0.s8.s32 v11  }
0xf: {  	v19 =	vsel vm0, v13, v7;
	v20 =	vsel vm0, v9, v3;
	v3 =	vsel vm0, v15, v16  }
0x10: {  	v15 =	vsel vm0, v18, v17;
	v17 =	vimm.s32 $0x4030201;
	v7 =	vsel vm0, v7, v6  }
0x11: {  	v21 =	vsel vm0, v14, v11;
	v3 =	vcombine.low v15, v3;
	v15 =	vunpack.c.0.s8.s32 v17  }
0x12: {  	v17 =	vimm.s32 $0x5040302;
	v4 =	vcombine.low v8, v19;
	v8 =	vunpack.c.0.s8.s32 v23  }
0x13: {  	v9 =	vsel vm0, v11, v9;
	v11 =	vimm.s32 $0x76543210;
	v17 =	vunpack.c.0.s8.s32 v17  }
0x14: {  	v11 =	vunpack.c.l.s4.s8 v11;
	v15 =	vsel vm0, v15, v12;
	v8 =	vsel vm0, v8, v14  }
0x15: {  	v17 =	vsel vm0, v17, v13;
	v6 =	vcombine.low v22, v15;
	v15 =	vimm.s32 $0x87654321  }
0x16: {  	v8 =	vcombine.low v9, v8;
	v9 =	vsel vm0, v16, v18;
	v15 =	vunpack.c.l.s4.s8 v15  }
0x17: {  	v11 =	vunpack.c.0.s8.s32 v11;
	v7 =	vcombine.low v7, v17;
	v17 =	vimm.s32 $0x98765432  }
0x18: {  	v18 =	vimm.s32 $0xA9876543;
	v17 =	vunpack.c.l.s4.s8 v17;
	v15 =	vunpack.c.0.s8.s32 v15  }
0x19: {  	v2 =	vcombine.low v2, v10;
	v5 =	vcombine.low v20, v21;
	v18 =	vunpack.c.l.s4.s8 v18  }
0x1a: {  	v9 =	vcombine.low v9, v11;
	v17 =	vunpack.c.0.s8.s32 v17;
	v11 =	vand.u32 $0xF, v15  }
0x1b: {  	v20 =	vunpack.c.l.s4.s8 v61;
	v15 =	vunpack.c.l.s4.s8 v60;
	v10 =	vcombine.low v10, v11  }
0x1c: {  	v11 =	vand.u32 $0xF, v17;
	v17 =	vunpack.c.0.s8.s32 v18;
	v18 =	vimm.s32 $0x43218765  }
0x1d: {  	v11 =	vcombine.low v19, v11;
	v18 =	vunpack.c.l.s4.s8 v18;
	v19 =	vimm.s32 $0x54329876  }
0x1e: {  	s2 =	rddreg [dreg:$0x0];
	vm1 =	vcmask $0x3F30;
	v15 =	vunpack.c.0.s8.s32 v15;
	v19 =	vunpack.c.l.s4.s8 v19  }
0x1f: {  	s4 =	srdreg.scid;
	s0 =	stileid.u32;
	v1 =	vmul.u32 $0x80, v0;
	v20 =	vunpack.c.0.s8.s32 v20;
	v18 =	vunpack.c.0.s8.s32 v18  }
0x20: {  	s3 =	rddreg [dreg:$0x2];
	s9 =	simm.s32 $0x5;
	s10 =	simm.s32 $0x6580;
	v17 =	vand.u32 $0xF, v17;
	v15 =	vand.u32 $0xF, v15;
	v19 =	vunpack.c.0.s8.s32 v19  }
0x21: {  	s11 =	simm.s32 $0xA580;
	s5 =	sand.u32 $0x1, s4;
	s6 =	sshll.u32 s0, $0x1;
	v15 =	vsel vm15, v15, v16;
	v16 =	vimm.s32 $0xB0A0908;
	v18 =	vand.u32 $0xF, v18  }
0x22: {  	s12 =	simm.s32 $0xE580;
	s13 =	simm.s32 $0x12580;
	s6 =	sor.u32 s5, s6;
	v16 =	vunpack.c.0.s8.s32 v16;
	v18 =	vsel vm15, v18, v12;
	v12 =	vand.u32 $0xF, v19  }
0x23: {  	s17 =	simm.s32 $0x4;
	s5 =	ssub.s32 $0x2, s5;
	s7 =	smul.u32 $0xC80, s6;
	v19 =	vsel vm15, v12, v13;
	v12 =	vimm.s32 $0xC0B0A09;
	v13 =	vand.u32 $0xF, v20  }
0x24: {  	s18 =	simm.s32 $0x0;
	s4 =	simm.s32 $0x0;
	s8 =	sshrl.u32 s5, $0x1;
	v20 =	vsel vm15, v13, v14;
	v13 =	vimm.s32 $0xD0C0B0A;
	v14 =	vimm.s32 $0xE0D0C0B  }
0x25: {  	[smem:$0x7FF] =	sst s4;
	s8 =	ssub.s32 s5, s8;
	s30 =	sadd.s32 s2, s7;
	v62 =	vunpack.c.0.s8.s32 v12;
	v63 =	vunpack.c.0.s8.s32 v13;
	v24 =	vunpack.c.0.s8.s32 v14  }
0x26: {  	_ =	strace $0x80000047;
	s31 =	smax.u32 s8, $0x1;
	[dreg:$0x4] =	wrdreg s30;
	v12 =	vcombine.low v21, v17;
	v13 =	vor.u32 $0x70, v0;
	v14 =	vsel vm1, v16, v15  }
0x27: {  	s5 =	smul.u32 $0xC8, s6;
	s8 =	simm.s32 $0x6400;
	[dreg:$0x5] =	wrdreg s31;
	v15 =	vsel vm1, v62, v18;
	v16 =	vsel vm1, v63, v19;
	v17 =	vsel vm1, v24, v20  }
.LBB2_1:
0x28: {  	s0 =	rddreg [dreg:$0x1]  }
0x29: {  	[tilespmem:s8], [sflag:$0x5] =	stream.linear.gather [hbm4b:s0+s4], $0x180, $0x38;
	[tilespmem:$0x16580] =	vst v63  }
0x2a: {  	_ =	swait.ge [sflag:s9], $0x180  }
0x2b: {  	[sflag:s9] =	ssyncset.done $0x0  }
0x2c: {  	s31 =	rddreg [dreg:$0x4];
	[sflag:s9] =	ssyncadd.s32 $0xFFFFFE80  }
0x2d: {  	[tilespmem:s4], [sflag:$0x5] =	stream.linear.gather [hbm4b:s31+s4], $0x6400, $0x38;
	[tilespmem:$0x16580] =	vst v63  }
0x2e: {  	_ =	swait.ge [sflag:s9], $0x6400  }
0x2f: {  	[sflag:s9] =	ssyncset.done $0x0  }
0x30: {  	s19 =	simm.s32 $0x0;
	[sflag:s9] =	ssyncadd.s32 $0xFFFF9C00  }
.LBB2_2:
0x31: {  	p0 =	seq.s32 s19, $0x0  }
0x32: {  	s2 =	simm.s32 @!p0 $0x1  }
0x33: {  	s21 =	sshll.u32 s19, $0x9;
	_ =	swait.ge @!p0 [sflag:s2], $0x4000  }
0x34: {  	s20 =	sshll.u32 s19, $0x2;
	s22 =	sand.u32 $0x3FFFFE00, s21;
	[sflag:s2] =	ssyncset.done @!p0 $0x0  }
0x35: {  	s21 =	simm.s32 $0x0;
	v18 =	vmov s22;
	s22 =	simm.s32 $0x0;
	[sflag:s2] =	ssyncadd.s32 @!p0 $0xFFFFC000  }
.LBB2_3:
0x36: {  	_ =	sdelay $0x2  }
0x37: {  	s2 =	sshll.u32 s22, $0x4  }
0x38: {  	v19 =	vld.idx.msk [tilespmem:v18+s2+$0x0 ss:$0x1], $0xffff;
	_ =	sdelay $0x4  }
0x39: {  	v20 =	vshll.u32 v19, $0x7  }
0x3a: {  	v22 =	vor.u32 v0, v20  }
0x3b: {  	s23 =	simm.s32 $0xF;
	v23 =	vor.u32 s21, v22  }
0x3c: {  	s25 =	simm.s32 $0xE;
	v24 =	vadd.s32 s23, v22  }
0x3d: {  	s26 =	simm.s32 $0xD;
	v19 =	vmov s2;
	v25 =	vadd.s32 s25, v22  }
0x3e: {  	s28 =	simm.s32 $0xC;
	v19 =	vshll.u32 v19, $0x7;
	v26 =	vadd.s32 s26, v22  }
0x3f: {  	s29 =	simm.s32 $0xB;
	v19 =	vor.u32 v1, v19;
	v27 =	vadd.s32 s28, v22  }
0x40: {  	s30 =	simm.s32 $0xA;
	v30 =	vadd.s32 s29, v22;
	v21 =	vor.u32 v0, v19;
	v28 =	vld.idx.msk [tilespmem:v23+s8+$0x0], $0xffff  }
0x41: {  	s31 =	simm.s32 $0x9;
	v33 =	vadd.s32 s30, v22;
	v31 =	vor.u32 s21, v21;
	v36 =	vld.idx.msk [tilespmem:v24+s8+$0x0], $0xffff  }
0x42: {  	s1 =	simm.s32 $0x8;
	v35 =	vadd.s32 s31, v22;
	v37 =	vadd.s32 s23, v21;
	v38 =	vld.idx.msk [tilespmem:v25+s8+$0x0], $0xffff  }
0x43: {  	s24 =	simm.s32 $0x7;
	v39 =	vadd.s32 s1, v22;
	v41 =	vadd.s32 s25, v21;
	v40 =	vld.idx.msk [tilespmem:v26+s8+$0x0], $0xffff  }
0x44: {  	v42 =	vadd.s32 s24, v22;
	s25 =	simm.s32 $0x6;
	v43 =	vadd.s32 s26, v21;
	v23 =	vld.idx.msk [tilespmem:v27+s8+$0x0], $0xffff  }
0x45: {  	s26 =	simm.s32 $0x5;
	v32 =	vadd.s32 s28, v21;
	v29 =	vadd.s32 s25, v22;
	v24 =	vld.idx.msk [tilespmem:v30+s8+$0x0], $0xffff  }
0x46: {  	s28 =	simm.s32 $0x4;
	v34 =	vadd.s32 s29, v21;
	v30 =	vadd.s32 s26, v22;
	v25 =	vld.idx.msk [tilespmem:v33+s8+$0x0], $0xffff;
	[tilespmem:v31+s10+$0x0] =	vst.idx.msk $0xffff, v28  }
0x47: {  	s29 =	simm.s32 $0x3;
	v26 =	vld.idx.msk [tilespmem:v35+s8+$0x0], $0xffff;
	v35 =	vadd.s32 s30, v21;
	v31 =	vadd.s32 s28, v22;
	[tilespmem:v37+s10+$0x0] =	vst.idx.msk $0xffff, v36  }
0x48: {  	s30 =	simm.s32 $0x2;
	v33 =	vadd.s32 s29, v22;
	v27 =	vld.idx.msk [tilespmem:v39+s8+$0x0], $0xffff;
	v37 =	vadd.s32 s31, v21;
	[tilespmem:v41+s10+$0x0] =	vst.idx.msk $0xffff, v38  }
0x49: {  	s23 =	simm.s32 $0x10;
	s31 =	simm.s32 $0x1;
	v36 =	vadd.s32 s30, v22;
	v28 =	vld.idx.msk [tilespmem:v42+s8+$0x0], $0xffff;
	v38 =	vadd.s32 s1, v21;
	[tilespmem:v43+s10+$0x0] =	vst.idx.msk $0xffff, v40  }
.LBB2_4:
0x4a: {  	p1 =	slt.u32 s23, $0x60;
	v39 =	vadd.s32 s31, v22;
	v29 =	vld.idx.msk [tilespmem:v29+s8+$0x0], $0xffff;
	v40 =	vadd.s32 s24, v21;
	[tilespmem:v32+s10+$0x0] =	vst.idx.msk $0xffff, v23  }
0x4b: {  	v23 =	vor.u32 s23, v22;
	s1 =	sadd.s32 $0xF, s23;
	v32 =	vadd.s32 s25, v21;
	v30 =	vld.idx.msk [tilespmem:v30+s8+$0x0], $0xffff;
	[tilespmem:v34+s10+$0x0] =	vst.idx.msk $0xffff, v24  }
0x4c: {  	s2 =	sadd.s32 $0xE, s23;
	v24 =	vadd.s32 s1, v22;
	v34 =	vadd.s32 s26, v21;
	v31 =	vld.idx.msk [tilespmem:v31+s8+$0x0], $0xffff;
	[tilespmem:v35+s10+$0x0] =	vst.idx.msk $0xffff, v25  }
0x4d: {  	s26 =	sadd.s32 $0xD, s23;
	v25 =	vadd.s32 s2, v22;
	v35 =	vadd.s32 s28, v21;
	v33 =	vld.idx.msk [tilespmem:v33+s8+$0x0], $0xffff;
	[tilespmem:v37+s10+$0x0] =	vst.idx.msk $0xffff, v26  }
0x4e: {  	s28 =	sadd.s32 $0xC, s23;
	v26 =	vadd.s32 s26, v22;
	v37 =	vadd.s32 s29, v21;
	v36 =	vld.idx.msk [tilespmem:v36+s8+$0x0], $0xffff;
	[tilespmem:v38+s10+$0x0] =	vst.idx.msk $0xffff, v27  }
0x4f: {  	s29 =	sadd.s32 $0xB, s23;
	v27 =	vadd.s32 s28, v22;
	v38 =	vld.idx.msk [tilespmem:v39+s8+$0x0], $0xffff;
	v39 =	vadd.s32 s30, v21;
	[tilespmem:v40+s10+$0x0] =	vst.idx.msk $0xffff, v28  }
0x50: {  	v41 =	vadd.s32 s31, v21;
	s30 =	sadd.s32 $0xA, s23;
	v40 =	vadd.s32 s29, v22;
	v28 =	vld.idx.msk [tilespmem:v23+s8+$0x0], $0xffff;
	[tilespmem:v32+s10+$0x0] =	vst.idx.msk $0xffff, v29  }
0x51: {  	v42 =	vor.u32 s23, v21;
	s31 =	sadd.s32 $0x9, s23;
	v43 =	vadd.s32 s30, v22;
	v44 =	vld.idx.msk [tilespmem:v24+s8+$0x0], $0xffff;
	[tilespmem:v34+s10+$0x0] =	vst.idx.msk $0xffff, v30  }
0x52: {  	s0 =	sadd.s32 $0x8, s23;
	v45 =	vadd.s32 s31, v22;
	v47 =	vadd.s32 s1, v21;
	v46 =	vld.idx.msk [tilespmem:v25+s8+$0x0], $0xffff;
	[tilespmem:v35+s10+$0x0] =	vst.idx.msk $0xffff, v31  }
0x53: {  	s24 =	sadd.s32 $0x7, s23;
	v48 =	vadd.s32 s0, v22;
	v50 =	vadd.s32 s2, v21;
	v49 =	vld.idx.msk [tilespmem:v26+s8+$0x0], $0xffff;
	[tilespmem:v37+s10+$0x0] =	vst.idx.msk $0xffff, v33  }
0x54: {  	s25 =	sadd.s32 $0x6, s23;
	v51 =	vadd.s32 s24, v22;
	v52 =	vadd.s32 s26, v21;
	v23 =	vld.idx.msk [tilespmem:v27+s8+$0x0], $0xffff;
	[tilespmem:v39+s10+$0x0] =	vst.idx.msk $0xffff, v36  }
.Ltmp0:
0x55: {  	s26 =	sadd.s32 $0x5, s23;
	v29 =	vadd.s32 s25, v22;
	v32 =	vadd.s32 s28, v21;
	v24 =	vld.idx.msk [tilespmem:v40+s8+$0x0], $0xffff;
	[tilespmem:v41+s10+$0x0] =	vst.idx.msk $0xffff, v38;
	(pc) =	sbr.rel @p1 .LBB2_4-.Ltmp0, $4  }
0x56: {  	s28 =	sadd.s32 $0x4, s23;
	v30 =	vadd.s32 s26, v22;
	v34 =	vadd.s32 s29, v21;
	[tilespmem:v42+s10+$0x0] =	vst.idx.msk $0xffff, v28;
	v25 =	vld.idx.msk [tilespmem:v43+s8+$0x0], $0xffff  }
0x57: {  	s29 =	sadd.s32 $0x3, s23;
	v31 =	vadd.s32 s28, v22;
	v35 =	vadd.s32 s30, v21;
	v26 =	vld.idx.msk [tilespmem:v45+s8+$0x0], $0xffff;
	[tilespmem:v47+s10+$0x0] =	vst.idx.msk $0xffff, v44  }
0x58: {  	s30 =	sadd.s32 $0x2, s23;
	v33 =	vadd.s32 s29, v22;
	v37 =	vadd.s32 s31, v21;
	v27 =	vld.idx.msk [tilespmem:v48+s8+$0x0], $0xffff;
	[tilespmem:v50+s10+$0x0] =	vst.idx.msk $0xffff, v46  }
0x59: {  	s31 =	sadd.s32 $0x1, s23;
	s23 =	sadd.s32 $0x10, s23;
	v36 =	vadd.s32 s30, v22;
	v38 =	vadd.s32 s0, v21;
	v28 =	vld.idx.msk [tilespmem:v51+s8+$0x0], $0xffff;
	[tilespmem:v52+s10+$0x0] =	vst.idx.msk $0xffff, v49  }
0x5a: {  	_ =	sdelay $0x3  }
0x5b: {  	v39 =	vadd.s32 s24, v21;
	[tilespmem:v32+s10+$0x0] =	vst.idx.msk $0xffff, v23  }
0x5c: {  	v22 =	vadd.s32 s31, v22;
	v41 =	vld.idx.msk [tilespmem:v29+s8+$0x0], $0xffff;
	v42 =	vadd.s32 s25, v21;
	[tilespmem:v34+s10+$0x0] =	vst.idx.msk $0xffff, v24  }
0x5d: {  	v43 =	vld.idx.msk [tilespmem:v30+s8+$0x0], $0xffff;
	v44 =	vadd.s32 s26, v21;
	[tilespmem:v35+s10+$0x0] =	vst.idx.msk $0xffff, v25  }
0x5e: {  	v45 =	vld.idx.msk [tilespmem:v31+s8+$0x0], $0xffff;
	v46 =	vadd.s32 s28, v21;
	[tilespmem:v37+s10+$0x0] =	vst.idx.msk $0xffff, v26  }
0x5f: {  	v47 =	vld.idx.msk [tilespmem:v33+s8+$0x0], $0xffff;
	v48 =	vadd.s32 s29, v21;
	[tilespmem:v38+s10+$0x0] =	vst.idx.msk $0xffff, v27  }
0x60: {  	v49 =	vld.idx.msk [tilespmem:v36+s8+$0x0], $0xffff;
	v50 =	vadd.s32 s30, v21;
	[tilespmem:v39+s10+$0x0] =	vst.idx.msk $0xffff, v28  }
0x61: {  	v51 =	vadd.s32 s31, v21;
	v22 =	vld.idx.msk [tilespmem:v22+s8+$0x0], $0xffff;
	[tilespmem:v42+s10+$0x0] =	vst.idx.msk $0xffff, v41  }
0x62: {  	v52 =	vor.u32 v13, v20;
	[tilespmem:v44+s10+$0x0] =	vst.idx.msk $0xffff, v43  }
0x63: {  	v53 =	vor.u32 v2, v20;
	[tilespmem:v46+s10+$0x0] =	vst.idx.msk $0xffff, v45  }
0x64: {  	v54 =	vor.u32 v4, v20;
	[tilespmem:v48+s10+$0x0] =	vst.idx.msk $0xffff, v47  }
0x65: {  	v55 =	vor.u32 v5, v20;
	[tilespmem:v50+s10+$0x0] =	vst.idx.msk $0xffff, v49  }
0x66: {  	v56 =	vor.u32 v3, v20;
	[tilespmem:v51+s10+$0x0] =	vst.idx.msk $0xffff, v22  }
0x67: {  	v57 =	vor.u32 v13, v19;
	v58 =	vor.u32 v6, v20;
	v22 =	vld.idx.msk [tilespmem:v52+s8+$0x0], $0xffff  }
0x68: {  	v59 =	vor.u32 v2, v19;
	v60 =	vor.u32 v7, v20;
	v24 =	vld.idx.msk [tilespmem:v53+s8+$0x0], $0xffff  }
0x69: {  	v61 =	vor.u32 v4, v19;
	v62 =	vor.u32 v8, v20;
	v25 =	vld.idx.msk [tilespmem:v54+s8+$0x0], $0xffff  }
0x6a: {  	v63 =	vor.u32 v5, v19;
	v36 =	vor.u32 v9, v20;
	v26 =	vld.idx.msk [tilespmem:v55+s8+$0x0], $0xffff  }
0x6b: {  	v37 =	vor.u32 v3, v19;
	v38 =	vor.u32 v10, v20;
	v21 =	vld.idx.msk [tilespmem:v56+s8+$0x0], $0xffff  }
0x6c: {  	v40 =	vor.u32 v6, v19;
	v41 =	vor.u32 v11, v20;
	v39 =	vld.idx.msk [tilespmem:v58+s8+$0x0], $0xffff;
	[tilespmem:v57+s10+$0x0] =	vst.idx.msk $0xffff, v22  }
0x6d: {  	v43 =	vor.u32 v7, v19;
	v44 =	vor.u32 v12, v20;
	v42 =	vld.idx.msk [tilespmem:v60+s8+$0x0], $0xffff;
	[tilespmem:v59+s10+$0x0] =	vst.idx.msk $0xffff, v24  }
0x6e: {  	v46 =	vor.u32 v8, v19;
	v47 =	vor.u32 v14, v20;
	v45 =	vld.idx.msk [tilespmem:v62+s8+$0x0], $0xffff;
	[tilespmem:v61+s10+$0x0] =	vst.idx.msk $0xffff, v25  }
0x6f: {  	v49 =	vor.u32 v9, v19;
	v50 =	vor.u32 v15, v20;
	v48 =	vld.idx.msk [tilespmem:v36+s8+$0x0], $0xffff;
	[tilespmem:v63+s10+$0x0] =	vst.idx.msk $0xffff, v26  }
0x70: {  	v51 =	vld.idx.msk [tilespmem:v38+s8+$0x0], $0xffff;
	v52 =	vor.u32 v10, v19;
	v53 =	vor.u32 v16, v20;
	[tilespmem:v37+s10+$0x0] =	vst.idx.msk $0xffff, v21  }
0x71: {  	v54 =	vld.idx.msk [tilespmem:v41+s8+$0x0], $0xffff;
	v55 =	vor.u32 v11, v19;
	v20 =	vor.u32 v17, v20;
	[tilespmem:v40+s10+$0x0] =	vst.idx.msk $0xffff, v39  }
0x72: {  	v56 =	vld.idx.msk [tilespmem:v44+s8+$0x0], $0xffff;
	[tilespmem:v43+s10+$0x0] =	vst.idx.msk $0xffff, v42;
	v57 =	vor.u32 v12, v19  }
0x73: {  	v58 =	vld.idx.msk [tilespmem:v47+s8+$0x0], $0xffff;
	[tilespmem:v46+s10+$0x0] =	vst.idx.msk $0xffff, v45;
	v59 =	vor.u32 v14, v19  }
0x74: {  	v60 =	vld.idx.msk [tilespmem:v50+s8+$0x0], $0xffff;
	[tilespmem:v49+s10+$0x0] =	vst.idx.msk $0xffff, v48;
	v61 =	vor.u32 v15, v19  }
0x75: {  	s22 =	sadd.s32 $0x1, s22;
	[tilespmem:v52+s10+$0x0] =	vst.idx.msk $0xffff, v51;
	v62 =	vld.idx.msk [tilespmem:v53+s8+$0x0], $0xffff;
	v63 =	vor.u32 v16, v19  }
0x76: {  	p1 =	sne.s32 s22, $0x8;
	[tilespmem:v55+s10+$0x0] =	vst.idx.msk $0xffff, v54;
	v20 =	vld.idx.msk [tilespmem:v20+s8+$0x0], $0xffff;
	v19 =	vor.u32 v17, v19  }
.Ltmp1:
0x77: {  	[tilespmem:v57+s10+$0x0] =	vst.idx.msk $0xffff, v56;
	(pc) =	sbr.rel @p1 .LBB2_3-.Ltmp1, $4  }
0x78: {  	[tilespmem:v59+s10+$0x0] =	vst.idx.msk $0xffff, v58  }
0x79: {  	[tilespmem:v61+s10+$0x0] =	vst.idx.msk $0xffff, v60  }
0x7a: {  	[tilespmem:v63+s10+$0x0] =	vst.idx.msk $0xffff, v62  }
0x7b: {  	[tilespmem:v19+s10+$0x0] =	vst.idx.msk $0xffff, v20  }
0x7c: {  	s0 =	sadd.s32 s5, s20  }
0x7d: {  	s0 =	sshll.u32 s0, $0xB  }
0x7e: {  	s0 =	sadd.s32 s3, s0  }
0x7f: {  	[hbm4b:s0+s4] =	stream.linear.scatter [tilespmem:s10], [sflag:$0x1], $0x4000, $0x38;
	[tilespmem:$0x16580] =	vst v63  }
0x80: {  	s21 =	sor.u32 $0x1, s20;
	s0 =	simm.s32 @!p0 $0x2  }
0x81: {  	s1 =	sshll.u32 s21, $0x7;
	_ =	swait.ge @!p0 [sflag:s0], $0x4000  }
0x82: {  	s1 =	sand.u32 $0x3FFFFF80, s1;
	[sflag:s0] =	ssyncset.done @!p0 $0x0  }
0x83: {  	s22 =	simm.s32 $0x0;
	s23 =	simm.s32 $0x0;
	v18 =	vmov s1;
	[sflag:s0] =	ssyncadd.s32 @!p0 $0xFFFFC000  }
.LBB2_7:
0x84: {  	_ =	sdelay $0x2  }
0x85: {  	s0 =	sshll.u32 s23, $0x4  }
0x86: {  	v19 =	vld.idx.msk [tilespmem:v18+s0+$0x0 ss:$0x1], $0xffff;
	_ =	sdelay $0x4  }
0x87: {  	v20 =	vshll.u32 v19, $0x7  }
0x88: {  	v22 =	vor.u32 v0, v20  }
0x89: {  	s1 =	simm.s32 $0xF;
	v23 =	vor.u32 s22, v22  }
0x8a: {  	s2 =	simm.s32 $0xE;
	v24 =	vadd.s32 s1, v22  }
0x8b: {  	s16 =	simm.s32 $0xD;
	v19 =	vmov s0;
	v25 =	vadd.s32 s2, v22  }
0x8c: {  	s24 =	simm.s32 $0xC;
	v19 =	vshll.u32 v19, $0x7;
	v26 =	vadd.s32 s16, v22  }
0x8d: {  	s30 =	simm.s32 $0xB;
	v19 =	vor.u32 v1, v19;
	v27 =	vadd.s32 s24, v22  }
0x8e: {  	s31 =	simm.s32 $0xA;
	v30 =	vadd.s32 s30, v22;
	v21 =	vor.u32 v0, v19;
	v28 =	vld.idx.msk [tilespmem:v23+s8+$0x0], $0xffff  }
0x8f: {  	s6 =	simm.s32 $0x9;
	v33 =	vadd.s32 s31, v22;
	v31 =	vor.u32 s22, v21;
	v36 =	vld.idx.msk [tilespmem:v24+s8+$0x0], $0xffff  }
0x90: {  	s7 =	simm.s32 $0x8;
	v35 =	vadd.s32 s6, v22;
	v37 =	vadd.s32 s1, v21;
	v38 =	vld.idx.msk [tilespmem:v25+s8+$0x0], $0xffff  }
0x91: {  	s25 =	simm.s32 $0x7;
	v39 =	vadd.s32 s7, v22;
	v41 =	vadd.s32 s2, v21;
	v40 =	vld.idx.msk [tilespmem:v26+s8+$0x0], $0xffff  }
0x92: {  	s26 =	simm.s32 $0x6;
	v42 =	vadd.s32 s25, v22;
	v43 =	vadd.s32 s16, v21;
	v23 =	vld.idx.msk [tilespmem:v27+s8+$0x0], $0xffff  }
0x93: {  	s28 =	simm.s32 $0x5;
	v29 =	vadd.s32 s26, v22;
	v32 =	vadd.s32 s24, v21;
	v24 =	vld.idx.msk [tilespmem:v30+s8+$0x0], $0xffff  }
0x94: {  	s29 =	simm.s32 $0x4;
	v34 =	vadd.s32 s30, v21;
	v30 =	vadd.s32 s28, v22;
	v25 =	vld.idx.msk [tilespmem:v33+s8+$0x0], $0xffff;
	[tilespmem:v31+s11+$0x0] =	vst.idx.msk $0xffff, v28  }
0x95: {  	s30 =	simm.s32 $0x3;
	v26 =	vld.idx.msk [tilespmem:v35+s8+$0x0], $0xffff;
	v35 =	vadd.s32 s31, v21;
	v31 =	vadd.s32 s29, v22;
	[tilespmem:v37+s11+$0x0] =	vst.idx.msk $0xffff, v36  }
0x96: {  	s31 =	simm.s32 $0x2;
	v33 =	vadd.s32 s30, v22;
	v27 =	vld.idx.msk [tilespmem:v39+s8+$0x0], $0xffff;
	v37 =	vadd.s32 s6, v21;
	[tilespmem:v41+s11+$0x0] =	vst.idx.msk $0xffff, v38  }
0x97: {  	s2 =	simm.s32 $0x1;
	s24 =	simm.s32 $0x10;
	v36 =	vadd.s32 s31, v22;
	v28 =	vld.idx.msk [tilespmem:v42+s8+$0x0], $0xffff;
	v38 =	vadd.s32 s7, v21;
	[tilespmem:v43+s11+$0x0] =	vst.idx.msk $0xffff, v40  }
.LBB2_8:
0x98: {  	p1 =	slt.u32 s24, $0x60;
	v39 =	vadd.s32 s2, v22;
	v29 =	vld.idx.msk [tilespmem:v29+s8+$0x0], $0xffff;
	v40 =	vadd.s32 s25, v21;
	[tilespmem:v32+s11+$0x0] =	vst.idx.msk $0xffff, v23  }
0x99: {  	v23 =	vor.u32 s24, v22;
	s0 =	sadd.s32 $0xF, s24;
	v32 =	vadd.s32 s26, v21;
	v30 =	vld.idx.msk [tilespmem:v30+s8+$0x0], $0xffff;
	[tilespmem:v34+s11+$0x0] =	vst.idx.msk $0xffff, v24  }
0x9a: {  	s1 =	sadd.s32 $0xE, s24;
	v24 =	vadd.s32 s0, v22;
	v34 =	vadd.s32 s28, v21;
	v31 =	vld.idx.msk [tilespmem:v31+s8+$0x0], $0xffff;
	[tilespmem:v35+s11+$0x0] =	vst.idx.msk $0xffff, v25  }
0x9b: {  	s6 =	sadd.s32 $0xD, s24;
	v25 =	vadd.s32 s1, v22;
	v35 =	vadd.s32 s29, v21;
	v33 =	vld.idx.msk [tilespmem:v33+s8+$0x0], $0xffff;
	[tilespmem:v37+s11+$0x0] =	vst.idx.msk $0xffff, v26  }
0x9c: {  	s7 =	sadd.s32 $0xC, s24;
	v26 =	vadd.s32 s6, v22;
	v37 =	vadd.s32 s30, v21;
	v36 =	vld.idx.msk [tilespmem:v36+s8+$0x0], $0xffff;
	[tilespmem:v38+s11+$0x0] =	vst.idx.msk $0xffff, v27  }
0x9d: {  	s30 =	sadd.s32 $0xB, s24;
	v27 =	vadd.s32 s7, v22;
	v38 =	vld.idx.msk [tilespmem:v39+s8+$0x0], $0xffff;
	v39 =	vadd.s32 s31, v21;
	[tilespmem:v40+s11+$0x0] =	vst.idx.msk $0xffff, v28  }
0x9e: {  	v41 =	vadd.s32 s2, v21;
	s31 =	sadd.s32 $0xA, s24;
	v40 =	vadd.s32 s30, v22;
	v28 =	vld.idx.msk [tilespmem:v23+s8+$0x0], $0xffff;
	[tilespmem:v32+s11+$0x0] =	vst.idx.msk $0xffff, v29  }
0x9f: {  	v42 =	vor.u32 s24, v21;
	s2 =	sadd.s32 $0x9, s24;
	v43 =	vadd.s32 s31, v22;
	v44 =	vld.idx.msk [tilespmem:v24+s8+$0x0], $0xffff;
	[tilespmem:v34+s11+$0x0] =	vst.idx.msk $0xffff, v30  }
0xa0: {  	s14 =	sadd.s32 $0x8, s24;
	v45 =	vadd.s32 s2, v22;
	v47 =	vadd.s32 s0, v21;
	v46 =	vld.idx.msk [tilespmem:v25+s8+$0x0], $0xffff;
	[tilespmem:v35+s11+$0x0] =	vst.idx.msk $0xffff, v31  }
0xa1: {  	s25 =	sadd.s32 $0x7, s24;
	v48 =	vadd.s32 s14, v22;
	v50 =	vadd.s32 s1, v21;
	v49 =	vld.idx.msk [tilespmem:v26+s8+$0x0], $0xffff;
	[tilespmem:v37+s11+$0x0] =	vst.idx.msk $0xffff, v33  }
0xa2: {  	s26 =	sadd.s32 $0x6, s24;
	v51 =	vadd.s32 s25, v22;
	v52 =	vadd.s32 s6, v21;
	v23 =	vld.idx.msk [tilespmem:v27+s8+$0x0], $0xffff;
	[tilespmem:v39+s11+$0x0] =	vst.idx.msk $0xffff, v36  }
.Ltmp2:
0xa3: {  	s28 =	sadd.s32 $0x5, s24;
	v29 =	vadd.s32 s26, v22;
	v32 =	vadd.s32 s7, v21;
	v24 =	vld.idx.msk [tilespmem:v40+s8+$0x0], $0xffff;
	[tilespmem:v41+s11+$0x0] =	vst.idx.msk $0xffff, v38;
	(pc) =	sbr.rel @p1 .LBB2_8-.Ltmp2, $4  }
0xa4: {  	s29 =	sadd.s32 $0x4, s24;
	v30 =	vadd.s32 s28, v22;
	v34 =	vadd.s32 s30, v21;
	[tilespmem:v42+s11+$0x0] =	vst.idx.msk $0xffff, v28;
	v25 =	vld.idx.msk [tilespmem:v43+s8+$0x0], $0xffff  }
0xa5: {  	s30 =	sadd.s32 $0x3, s24;
	v31 =	vadd.s32 s29, v22;
	v35 =	vadd.s32 s31, v21;
	v26 =	vld.idx.msk [tilespmem:v45+s8+$0x0], $0xffff;
	[tilespmem:v47+s11+$0x0] =	vst.idx.msk $0xffff, v44  }
0xa6: {  	s31 =	sadd.s32 $0x2, s24;
	v33 =	vadd.s32 s30, v22;
	v37 =	vadd.s32 s2, v21;
	v27 =	vld.idx.msk [tilespmem:v48+s8+$0x0], $0xffff;
	[tilespmem:v50+s11+$0x0] =	vst.idx.msk $0xffff, v46  }
0xa7: {  	s2 =	sadd.s32 $0x1, s24;
	s24 =	sadd.s32 $0x10, s24;
	v36 =	vadd.s32 s31, v22;
	v38 =	vadd.s32 s14, v21;
	v28 =	vld.idx.msk [tilespmem:v51+s8+$0x0], $0xffff;
	[tilespmem:v52+s11+$0x0] =	vst.idx.msk $0xffff, v49  }
0xa8: {  	_ =	sdelay $0x3  }
0xa9: {  	v39 =	vadd.s32 s25, v21;
	[tilespmem:v32+s11+$0x0] =	vst.idx.msk $0xffff, v23  }
0xaa: {  	v22 =	vadd.s32 s2, v22;
	v41 =	vld.idx.msk [tilespmem:v29+s8+$0x0], $0xffff;
	v42 =	vadd.s32 s26, v21;
	[tilespmem:v34+s11+$0x0] =	vst.idx.msk $0xffff, v24  }
0xab: {  	v43 =	vld.idx.msk [tilespmem:v30+s8+$0x0], $0xffff;
	v44 =	vadd.s32 s28, v21;
	[tilespmem:v35+s11+$0x0] =	vst.idx.msk $0xffff, v25  }
0xac: {  	v45 =	vld.idx.msk [tilespmem:v31+s8+$0x0], $0xffff;
	v46 =	vadd.s32 s29, v21;
	[tilespmem:v37+s11+$0x0] =	vst.idx.msk $0xffff, v26  }
0xad: {  	v47 =	vld.idx.msk [tilespmem:v33+s8+$0x0], $0xffff;
	v48 =	vadd.s32 s30, v21;
	[tilespmem:v38+s11+$0x0] =	vst.idx.msk $0xffff, v27  }
0xae: {  	v49 =	vld.idx.msk [tilespmem:v36+s8+$0x0], $0xffff;
	v50 =	vadd.s32 s31, v21;
	[tilespmem:v39+s11+$0x0] =	vst.idx.msk $0xffff, v28  }
0xaf: {  	v51 =	vadd.s32 s2, v21;
	v22 =	vld.idx.msk [tilespmem:v22+s8+$0x0], $0xffff;
	[tilespmem:v42+s11+$0x0] =	vst.idx.msk $0xffff, v41  }
0xb0: {  	v52 =	vor.u32 v13, v20;
	[tilespmem:v44+s11+$0x0] =	vst.idx.msk $0xffff, v43  }
0xb1: {  	v53 =	vor.u32 v2, v20;
	[tilespmem:v46+s11+$0x0] =	vst.idx.msk $0xffff, v45  }
0xb2: {  	v54 =	vor.u32 v4, v20;
	[tilespmem:v48+s11+$0x0] =	vst.idx.msk $0xffff, v47  }
0xb3: {  	v55 =	vor.u32 v5, v20;
	[tilespmem:v50+s11+$0x0] =	vst.idx.msk $0xffff, v49  }
0xb4: {  	v56 =	vor.u32 v3, v20;
	[tilespmem:v51+s11+$0x0] =	vst.idx.msk $0xffff, v22  }
0xb5: {  	v57 =	vor.u32 v13, v19;
	v58 =	vor.u32 v6, v20;
	v22 =	vld.idx.msk [tilespmem:v52+s8+$0x0], $0xffff  }
0xb6: {  	v59 =	vor.u32 v2, v19;
	v60 =	vor.u32 v7, v20;
	v24 =	vld.idx.msk [tilespmem:v53+s8+$0x0], $0xffff  }
0xb7: {  	v61 =	vor.u32 v4, v19;
	v62 =	vor.u32 v8, v20;
	v25 =	vld.idx.msk [tilespmem:v54+s8+$0x0], $0xffff  }
0xb8: {  	v63 =	vor.u32 v5, v19;
	v36 =	vor.u32 v9, v20;
	v26 =	vld.idx.msk [tilespmem:v55+s8+$0x0], $0xffff  }
0xb9: {  	v37 =	vor.u32 v3, v19;
	v38 =	vor.u32 v10, v20;
	v21 =	vld.idx.msk [tilespmem:v56+s8+$0x0], $0xffff  }
0xba: {  	v40 =	vor.u32 v6, v19;
	v41 =	vor.u32 v11, v20;
	v39 =	vld.idx.msk [tilespmem:v58+s8+$0x0], $0xffff;
	[tilespmem:v57+s11+$0x0] =	vst.idx.msk $0xffff, v22  }
0xbb: {  	v43 =	vor.u32 v7, v19;
	v44 =	vor.u32 v12, v20;
	v42 =	vld.idx.msk [tilespmem:v60+s8+$0x0], $0xffff;
	[tilespmem:v59+s11+$0x0] =	vst.idx.msk $0xffff, v24  }
0xbc: {  	v46 =	vor.u32 v8, v19;
	v47 =	vor.u32 v14, v20;
	v45 =	vld.idx.msk [tilespmem:v62+s8+$0x0], $0xffff;
	[tilespmem:v61+s11+$0x0] =	vst.idx.msk $0xffff, v25  }
0xbd: {  	v49 =	vor.u32 v9, v19;
	v50 =	vor.u32 v15, v20;
	v48 =	vld.idx.msk [tilespmem:v36+s8+$0x0], $0xffff;
	[tilespmem:v63+s11+$0x0] =	vst.idx.msk $0xffff, v26  }
0xbe: {  	v51 =	vld.idx.msk [tilespmem:v38+s8+$0x0], $0xffff;
	v52 =	vor.u32 v10, v19;
	v53 =	vor.u32 v16, v20;
	[tilespmem:v37+s11+$0x0] =	vst.idx.msk $0xffff, v21  }
0xbf: {  	v54 =	vld.idx.msk [tilespmem:v41+s8+$0x0], $0xffff;
	v55 =	vor.u32 v11, v19;
	v20 =	vor.u32 v17, v20;
	[tilespmem:v40+s11+$0x0] =	vst.idx.msk $0xffff, v39  }
0xc0: {  	v56 =	vld.idx.msk [tilespmem:v44+s8+$0x0], $0xffff;
	[tilespmem:v43+s11+$0x0] =	vst.idx.msk $0xffff, v42;
	v57 =	vor.u32 v12, v19  }
0xc1: {  	v58 =	vld.idx.msk [tilespmem:v47+s8+$0x0], $0xffff;
	[tilespmem:v46+s11+$0x0] =	vst.idx.msk $0xffff, v45;
	v59 =	vor.u32 v14, v19  }
0xc2: {  	v60 =	vld.idx.msk [tilespmem:v50+s8+$0x0], $0xffff;
	[tilespmem:v49+s11+$0x0] =	vst.idx.msk $0xffff, v48;
	v61 =	vor.u32 v15, v19  }
0xc3: {  	s23 =	sadd.s32 $0x1, s23;
	[tilespmem:v52+s11+$0x0] =	vst.idx.msk $0xffff, v51;
	v62 =	vld.idx.msk [tilespmem:v53+s8+$0x0], $0xffff;
	v63 =	vor.u32 v16, v19  }
0xc4: {  	p1 =	sne.s32 s23, $0x8;
	[tilespmem:v55+s11+$0x0] =	vst.idx.msk $0xffff, v54;
	v20 =	vld.idx.msk [tilespmem:v20+s8+$0x0], $0xffff;
	v19 =	vor.u32 v17, v19  }
.Ltmp3:
0xc5: {  	[tilespmem:v57+s11+$0x0] =	vst.idx.msk $0xffff, v56;
	(pc) =	sbr.rel @p1 .LBB2_7-.Ltmp3, $4  }
0xc6: {  	[tilespmem:v59+s11+$0x0] =	vst.idx.msk $0xffff, v58  }
0xc7: {  	[tilespmem:v61+s11+$0x0] =	vst.idx.msk $0xffff, v60  }
0xc8: {  	[tilespmem:v63+s11+$0x0] =	vst.idx.msk $0xffff, v62  }
0xc9: {  	[tilespmem:v19+s11+$0x0] =	vst.idx.msk $0xffff, v20  }
0xca: {  	s0 =	sadd.s32 s5, s21  }
0xcb: {  	s0 =	sshll.u32 s0, $0xB  }
0xcc: {  	s0 =	sand.u32 $0x1FFFE800, s0  }
0xcd: {  	s0 =	sadd.s32 s3, s0  }
0xce: {  	[hbm4b:s0+s4] =	stream.linear.scatter [tilespmem:s11], [sflag:$0x2], $0x4000, $0x38;
	[tilespmem:$0x16580] =	vst v63  }
0xcf: {  	s21 =	sor.u32 $0x2, s20;
	s0 =	simm.s32 @!p0 $0x3  }
0xd0: {  	s1 =	sshll.u32 s21, $0x7;
	_ =	swait.ge @!p0 [sflag:s0], $0x4000  }
0xd1: {  	s1 =	sand.u32 $0x3FFFFF80, s1;
	[sflag:s0] =	ssyncset.done @!p0 $0x0  }
0xd2: {  	s22 =	simm.s32 $0x0;
	s23 =	simm.s32 $0x0;
	v18 =	vmov s1;
	[sflag:s0] =	ssyncadd.s32 @!p0 $0xFFFFC000  }
.LBB2_11:
0xd3: {  	_ =	sdelay $0x2  }
0xd4: {  	s0 =	sshll.u32 s23, $0x4  }
0xd5: {  	v19 =	vld.idx.msk [tilespmem:v18+s0+$0x0 ss:$0x1], $0xffff;
	_ =	sdelay $0x4  }
0xd6: {  	v20 =	vshll.u32 v19, $0x7  }
0xd7: {  	v22 =	vor.u32 v0, v20  }
0xd8: {  	s1 =	simm.s32 $0xF;
	v23 =	vor.u32 s22, v22  }
0xd9: {  	s2 =	simm.s32 $0xE;
	v24 =	vadd.s32 s1, v22  }
0xda: {  	s16 =	simm.s32 $0xD;
	v19 =	vmov s0;
	v25 =	vadd.s32 s2, v22  }
0xdb: {  	s6 =	simm.s32 $0xC;
	v19 =	vshll.u32 v19, $0x7;
	v26 =	vadd.s32 s16, v22  }
0xdc: {  	s7 =	simm.s32 $0xB;
	v19 =	vor.u32 v1, v19;
	v27 =	vadd.s32 s6, v22  }
0xdd: {  	s14 =	simm.s32 $0xA;
	v30 =	vadd.s32 s7, v22;
	v21 =	vor.u32 v0, v19;
	v28 =	vld.idx.msk [tilespmem:v23+s8+$0x0], $0xffff  }
0xde: {  	s24 =	simm.s32 $0x9;
	v33 =	vadd.s32 s14, v22;
	v31 =	vor.u32 s22, v21;
	v36 =	vld.idx.msk [tilespmem:v24+s8+$0x0], $0xffff  }
0xdf: {  	s15 =	simm.s32 $0x8;
	v35 =	vadd.s32 s24, v22;
	v37 =	vadd.s32 s1, v21;
	v38 =	vld.idx.msk [tilespmem:v25+s8+$0x0], $0xffff  }
0xe0: {  	s25 =	simm.s32 $0x7;
	v39 =	vadd.s32 s15, v22;
	v41 =	vadd.s32 s2, v21;
	v40 =	vld.idx.msk [tilespmem:v26+s8+$0x0], $0xffff  }
0xe1: {  	s26 =	simm.s32 $0x6;
	v42 =	vadd.s32 s25, v22;
	v43 =	vadd.s32 s16, v21;
	v23 =	vld.idx.msk [tilespmem:v27+s8+$0x0], $0xffff  }
0xe2: {  	s28 =	simm.s32 $0x5;
	v29 =	vadd.s32 s26, v22;
	v32 =	vadd.s32 s6, v21;
	v24 =	vld.idx.msk [tilespmem:v30+s8+$0x0], $0xffff  }
0xe3: {  	s29 =	simm.s32 $0x4;
	v34 =	vadd.s32 s7, v21;
	v30 =	vadd.s32 s28, v22;
	v25 =	vld.idx.msk [tilespmem:v33+s8+$0x0], $0xffff;
	[tilespmem:v31+s12+$0x0] =	vst.idx.msk $0xffff, v28  }
0xe4: {  	s30 =	simm.s32 $0x3;
	v26 =	vld.idx.msk [tilespmem:v35+s8+$0x0], $0xffff;
	v35 =	vadd.s32 s14, v21;
	v31 =	vadd.s32 s29, v22;
	[tilespmem:v37+s12+$0x0] =	vst.idx.msk $0xffff, v36  }
0xe5: {  	s31 =	simm.s32 $0x2;
	v33 =	vadd.s32 s30, v22;
	v27 =	vld.idx.msk [tilespmem:v39+s8+$0x0], $0xffff;
	v37 =	vadd.s32 s24, v21;
	[tilespmem:v41+s12+$0x0] =	vst.idx.msk $0xffff, v38  }
0xe6: {  	s2 =	simm.s32 $0x1;
	v36 =	vadd.s32 s31, v22;
	v28 =	vld.idx.msk [tilespmem:v42+s8+$0x0], $0xffff;
	v38 =	vadd.s32 s15, v21;
	[tilespmem:v43+s12+$0x0] =	vst.idx.msk $0xffff, v40;
	s24 =	simm.s32 $0x10  }
.LBB2_12:
0xe7: {  	p1 =	slt.u32 s24, $0x60;
	v39 =	vadd.s32 s2, v22;
	v29 =	vld.idx.msk [tilespmem:v29+s8+$0x0], $0xffff;
	v40 =	vadd.s32 s25, v21;
	[tilespmem:v32+s12+$0x0] =	vst.idx.msk $0xffff, v23  }
0xe8: {  	v23 =	vor.u32 s24, v22;
	s0 =	sadd.s32 $0xF, s24;
	v32 =	vadd.s32 s26, v21;
	v30 =	vld.idx.msk [tilespmem:v30+s8+$0x0], $0xffff;
	[tilespmem:v34+s12+$0x0] =	vst.idx.msk $0xffff, v24  }
0xe9: {  	s1 =	sadd.s32 $0xE, s24;
	v24 =	vadd.s32 s0, v22;
	v34 =	vadd.s32 s28, v21;
	v31 =	vld.idx.msk [tilespmem:v31+s8+$0x0], $0xffff;
	[tilespmem:v35+s12+$0x0] =	vst.idx.msk $0xffff, v25  }
0xea: {  	s6 =	sadd.s32 $0xD, s24;
	v25 =	vadd.s32 s1, v22;
	v35 =	vadd.s32 s29, v21;
	v33 =	vld.idx.msk [tilespmem:v33+s8+$0x0], $0xffff;
	[tilespmem:v37+s12+$0x0] =	vst.idx.msk $0xffff, v26  }
0xeb: {  	s7 =	sadd.s32 $0xC, s24;
	v26 =	vadd.s32 s6, v22;
	v37 =	vadd.s32 s30, v21;
	v36 =	vld.idx.msk [tilespmem:v36+s8+$0x0], $0xffff;
	[tilespmem:v38+s12+$0x0] =	vst.idx.msk $0xffff, v27  }
0xec: {  	s14 =	sadd.s32 $0xB, s24;
	v27 =	vadd.s32 s7, v22;
	v38 =	vld.idx.msk [tilespmem:v39+s8+$0x0], $0xffff;
	v39 =	vadd.s32 s31, v21;
	[tilespmem:v40+s12+$0x0] =	vst.idx.msk $0xffff, v28  }
0xed: {  	s15 =	sadd.s32 $0xA, s24;
	v41 =	vadd.s32 s2, v21;
	v40 =	vadd.s32 s14, v22;
	v28 =	vld.idx.msk [tilespmem:v23+s8+$0x0], $0xffff;
	[tilespmem:v32+s12+$0x0] =	vst.idx.msk $0xffff, v29  }
0xee: {  	v42 =	vor.u32 s24, v21;
	s2 =	sadd.s32 $0x9, s24;
	v43 =	vadd.s32 s15, v22;
	v44 =	vld.idx.msk [tilespmem:v24+s8+$0x0], $0xffff;
	[tilespmem:v34+s12+$0x0] =	vst.idx.msk $0xffff, v30  }
0xef: {  	s16 =	sadd.s32 $0x8, s24;
	v45 =	vadd.s32 s2, v22;
	v47 =	vadd.s32 s0, v21;
	v46 =	vld.idx.msk [tilespmem:v25+s8+$0x0], $0xffff;
	[tilespmem:v35+s12+$0x0] =	vst.idx.msk $0xffff, v31  }
0xf0: {  	s25 =	sadd.s32 $0x7, s24;
	v48 =	vadd.s32 s16, v22;
	v50 =	vadd.s32 s1, v21;
	v49 =	vld.idx.msk [tilespmem:v26+s8+$0x0], $0xffff;
	[tilespmem:v37+s12+$0x0] =	vst.idx.msk $0xffff, v33  }
0xf1: {  	s26 =	sadd.s32 $0x6, s24;
	v51 =	vadd.s32 s25, v22;
	v52 =	vadd.s32 s6, v21;
	v23 =	vld.idx.msk [tilespmem:v27+s8+$0x0], $0xffff;
	[tilespmem:v39+s12+$0x0] =	vst.idx.msk $0xffff, v36  }
.Ltmp4:
0xf2: {  	s28 =	sadd.s32 $0x5, s24;
	v29 =	vadd.s32 s26, v22;
	v32 =	vadd.s32 s7, v21;
	v24 =	vld.idx.msk [tilespmem:v40+s8+$0x0], $0xffff;
	[tilespmem:v41+s12+$0x0] =	vst.idx.msk $0xffff, v38;
	(pc) =	sbr.rel @p1 .LBB2_12-.Ltmp4, $4  }
0xf3: {  	s29 =	sadd.s32 $0x4, s24;
	v30 =	vadd.s32 s28, v22;
	v34 =	vadd.s32 s14, v21;
	[tilespmem:v42+s12+$0x0] =	vst.idx.msk $0xffff, v28;
	v25 =	vld.idx.msk [tilespmem:v43+s8+$0x0], $0xffff  }
0xf4: {  	s30 =	sadd.s32 $0x3, s24;
	v31 =	vadd.s32 s29, v22;
	v35 =	vadd.s32 s15, v21;
	v26 =	vld.idx.msk [tilespmem:v45+s8+$0x0], $0xffff;
	[tilespmem:v47+s12+$0x0] =	vst.idx.msk $0xffff, v44  }
0xf5: {  	s31 =	sadd.s32 $0x2, s24;
	v33 =	vadd.s32 s30, v22;
	v37 =	vadd.s32 s2, v21;
	v27 =	vld.idx.msk [tilespmem:v48+s8+$0x0], $0xffff;
	[tilespmem:v50+s12+$0x0] =	vst.idx.msk $0xffff, v46  }
0xf6: {  	s2 =	sadd.s32 $0x1, s24;
	s24 =	sadd.s32 $0x10, s24;
	v36 =	vadd.s32 s31, v22;
	v38 =	vadd.s32 s16, v21;
	v28 =	vld.idx.msk [tilespmem:v51+s8+$0x0], $0xffff;
	[tilespmem:v52+s12+$0x0] =	vst.idx.msk $0xffff, v49  }
0xf7: {  	_ =	sdelay $0x3  }
0xf8: {  	v39 =	vadd.s32 s25, v21;
	[tilespmem:v32+s12+$0x0] =	vst.idx.msk $0xffff, v23  }
0xf9: {  	v22 =	vadd.s32 s2, v22;
	v41 =	vld.idx.msk [tilespmem:v29+s8+$0x0], $0xffff;
	v42 =	vadd.s32 s26, v21;
	[tilespmem:v34+s12+$0x0] =	vst.idx.msk $0xffff, v24  }
0xfa: {  	v43 =	vld.idx.msk [tilespmem:v30+s8+$0x0], $0xffff;
	v44 =	vadd.s32 s28, v21;
	[tilespmem:v35+s12+$0x0] =	vst.idx.msk $0xffff, v25  }
0xfb: {  	v45 =	vld.idx.msk [tilespmem:v31+s8+$0x0], $0xffff;
	v46 =	vadd.s32 s29, v21;
	[tilespmem:v37+s12+$0x0] =	vst.idx.msk $0xffff, v26  }
0xfc: {  	v47 =	vld.idx.msk [tilespmem:v33+s8+$0x0], $0xffff;
	v48 =	vadd.s32 s30, v21;
	[tilespmem:v38+s12+$0x0] =	vst.idx.msk $0xffff, v27  }
0xfd: {  	v49 =	vld.idx.msk [tilespmem:v36+s8+$0x0], $0xffff;
	v50 =	vadd.s32 s31, v21;
	[tilespmem:v39+s12+$0x0] =	vst.idx.msk $0xffff, v28  }
0xfe: {  	v51 =	vadd.s32 s2, v21;
	v22 =	vld.idx.msk [tilespmem:v22+s8+$0x0], $0xffff;
	[tilespmem:v42+s12+$0x0] =	vst.idx.msk $0xffff, v41  }
0xff: {  	v52 =	vor.u32 v13, v20;
	[tilespmem:v44+s12+$0x0] =	vst.idx.msk $0xffff, v43  }
0x100: {  	v53 =	vor.u32 v2, v20;
	[tilespmem:v46+s12+$0x0] =	vst.idx.msk $0xffff, v45  }
0x101: {  	v54 =	vor.u32 v4, v20;
	[tilespmem:v48+s12+$0x0] =	vst.idx.msk $0xffff, v47  }
0x102: {  	v55 =	vor.u32 v5, v20;
	[tilespmem:v50+s12+$0x0] =	vst.idx.msk $0xffff, v49  }
0x103: {  	v56 =	vor.u32 v3, v20;
	[tilespmem:v51+s12+$0x0] =	vst.idx.msk $0xffff, v22  }
0x104: {  	v57 =	vor.u32 v13, v19;
	v58 =	vor.u32 v6, v20;
	v22 =	vld.idx.msk [tilespmem:v52+s8+$0x0], $0xffff  }
0x105: {  	v59 =	vor.u32 v2, v19;
	v60 =	vor.u32 v7, v20;
	v24 =	vld.idx.msk [tilespmem:v53+s8+$0x0], $0xffff  }
0x106: {  	v61 =	vor.u32 v4, v19;
	v62 =	vor.u32 v8, v20;
	v25 =	vld.idx.msk [tilespmem:v54+s8+$0x0], $0xffff  }
0x107: {  	v63 =	vor.u32 v5, v19;
	v36 =	vor.u32 v9, v20;
	v26 =	vld.idx.msk [tilespmem:v55+s8+$0x0], $0xffff  }
0x108: {  	v37 =	vor.u32 v3, v19;
	v38 =	vor.u32 v10, v20;
	v21 =	vld.idx.msk [tilespmem:v56+s8+$0x0], $0xffff  }
0x109: {  	v40 =	vor.u32 v6, v19;
	v41 =	vor.u32 v11, v20;
	v39 =	vld.idx.msk [tilespmem:v58+s8+$0x0], $0xffff;
	[tilespmem:v57+s12+$0x0] =	vst.idx.msk $0xffff, v22  }
0x10a: {  	v43 =	vor.u32 v7, v19;
	v44 =	vor.u32 v12, v20;
	v42 =	vld.idx.msk [tilespmem:v60+s8+$0x0], $0xffff;
	[tilespmem:v59+s12+$0x0] =	vst.idx.msk $0xffff, v24  }
0x10b: {  	v46 =	vor.u32 v8, v19;
	v47 =	vor.u32 v14, v20;
	v45 =	vld.idx.msk [tilespmem:v62+s8+$0x0], $0xffff;
	[tilespmem:v61+s12+$0x0] =	vst.idx.msk $0xffff, v25  }
0x10c: {  	v49 =	vor.u32 v9, v19;
	v50 =	vor.u32 v15, v20;
	v48 =	vld.idx.msk [tilespmem:v36+s8+$0x0], $0xffff;
	[tilespmem:v63+s12+$0x0] =	vst.idx.msk $0xffff, v26  }
0x10d: {  	v51 =	vld.idx.msk [tilespmem:v38+s8+$0x0], $0xffff;
	v52 =	vor.u32 v10, v19;
	v53 =	vor.u32 v16, v20;
	[tilespmem:v37+s12+$0x0] =	vst.idx.msk $0xffff, v21  }
0x10e: {  	v54 =	vld.idx.msk [tilespmem:v41+s8+$0x0], $0xffff;
	v55 =	vor.u32 v11, v19;
	v20 =	vor.u32 v17, v20;
	[tilespmem:v40+s12+$0x0] =	vst.idx.msk $0xffff, v39  }
0x10f: {  	v56 =	vld.idx.msk [tilespmem:v44+s8+$0x0], $0xffff;
	[tilespmem:v43+s12+$0x0] =	vst.idx.msk $0xffff, v42;
	v57 =	vor.u32 v12, v19  }
0x110: {  	v58 =	vld.idx.msk [tilespmem:v47+s8+$0x0], $0xffff;
	[tilespmem:v46+s12+$0x0] =	vst.idx.msk $0xffff, v45;
	v59 =	vor.u32 v14, v19  }
0x111: {  	v60 =	vld.idx.msk [tilespmem:v50+s8+$0x0], $0xffff;
	[tilespmem:v49+s12+$0x0] =	vst.idx.msk $0xffff, v48;
	v61 =	vor.u32 v15, v19  }
0x112: {  	s23 =	sadd.s32 $0x1, s23;
	[tilespmem:v52+s12+$0x0] =	vst.idx.msk $0xffff, v51;
	v62 =	vld.idx.msk [tilespmem:v53+s8+$0x0], $0xffff;
	v63 =	vor.u32 v16, v19  }
0x113: {  	p1 =	sne.s32 s23, $0x8;
	[tilespmem:v55+s12+$0x0] =	vst.idx.msk $0xffff, v54;
	v20 =	vld.idx.msk [tilespmem:v20+s8+$0x0], $0xffff;
	v19 =	vor.u32 v17, v19  }
.Ltmp5:
0x114: {  	[tilespmem:v57+s12+$0x0] =	vst.idx.msk $0xffff, v56;
	(pc) =	sbr.rel @p1 .LBB2_11-.Ltmp5, $4  }
0x115: {  	[tilespmem:v59+s12+$0x0] =	vst.idx.msk $0xffff, v58  }
0x116: {  	[tilespmem:v61+s12+$0x0] =	vst.idx.msk $0xffff, v60  }
0x117: {  	[tilespmem:v63+s12+$0x0] =	vst.idx.msk $0xffff, v62  }
0x118: {  	[tilespmem:v19+s12+$0x0] =	vst.idx.msk $0xffff, v20  }
0x119: {  	s0 =	sadd.s32 s5, s21  }
0x11a: {  	s0 =	sshll.u32 s0, $0xB  }
0x11b: {  	s0 =	sand.u32 $0x1FFFF000, s0  }
0x11c: {  	s0 =	sadd.s32 s3, s0  }
0x11d: {  	[hbm4b:s0+s4] =	stream.linear.scatter [tilespmem:s12], [sflag:$0x3], $0x4000, $0x38;
	[tilespmem:$0x16580] =	vst v63  }
0x11e: {  	s20 =	sor.u32 $0x3, s20;
	s0 =	simm.s32 @!p0 $0x4  }
0x11f: {  	s1 =	sshll.u32 s20, $0x7;
	_ =	swait.ge @!p0 [sflag:s0], $0x4000  }
0x120: {  	s1 =	sand.u32 $0x3FFFFF80, s1;
	[sflag:s0] =	ssyncset.done @!p0 $0x0  }
0x121: {  	s21 =	simm.s32 $0x0;
	s22 =	simm.s32 $0x0;
	v18 =	vmov s1;
	[sflag:s0] =	ssyncadd.s32 @!p0 $0xFFFFC000  }
.LBB2_15:
0x122: {  	_ =	sdelay $0x2  }
0x123: {  	s0 =	sshll.u32 s22, $0x4  }
0x124: {  	v19 =	vld.idx.msk [tilespmem:v18+s0+$0x0 ss:$0x1], $0xffff;
	_ =	sdelay $0x4  }
0x125: {  	v20 =	vshll.u32 v19, $0x7  }
0x126: {  	v22 =	vor.u32 v0, v20  }
0x127: {  	s1 =	simm.s32 $0xF;
	v23 =	vor.u32 s21, v22  }
0x128: {  	s2 =	simm.s32 $0xE;
	v24 =	vadd.s32 s1, v22  }
0x129: {  	s31 =	simm.s32 $0xD;
	v19 =	vmov s0;
	v25 =	vadd.s32 s2, v22  }
0x12a: {  	s6 =	simm.s32 $0xC;
	v19 =	vshll.u32 v19, $0x7;
	v26 =	vadd.s32 s31, v22  }
0x12b: {  	s7 =	simm.s32 $0xB;
	v19 =	vor.u32 v1, v19;
	v27 =	vadd.s32 s6, v22  }
0x12c: {  	s14 =	simm.s32 $0xA;
	v30 =	vadd.s32 s7, v22;
	v21 =	vor.u32 v0, v19;
	v28 =	vld.idx.msk [tilespmem:v23+s8+$0x0], $0xffff  }
0x12d: {  	s15 =	simm.s32 $0x9;
	v33 =	vadd.s32 s14, v22;
	v31 =	vor.u32 s21, v21;
	v36 =	vld.idx.msk [tilespmem:v24+s8+$0x0], $0xffff  }
0x12e: {  	s16 =	simm.s32 $0x8;
	v35 =	vadd.s32 s15, v22;
	v37 =	vadd.s32 s1, v21;
	v38 =	vld.idx.msk [tilespmem:v25+s8+$0x0], $0xffff  }
0x12f: {  	s24 =	simm.s32 $0x7;
	v39 =	vadd.s32 s16, v22;
	v41 =	vadd.s32 s2, v21;
	v40 =	vld.idx.msk [tilespmem:v26+s8+$0x0], $0xffff  }
0x130: {  	s25 =	simm.s32 $0x6;
	v42 =	vadd.s32 s24, v22;
	v43 =	vadd.s32 s31, v21;
	v23 =	vld.idx.msk [tilespmem:v27+s8+$0x0], $0xffff  }
0x131: {  	s26 =	simm.s32 $0x5;
	v29 =	vadd.s32 s25, v22;
	v32 =	vadd.s32 s6, v21;
	v24 =	vld.idx.msk [tilespmem:v30+s8+$0x0], $0xffff  }
0x132: {  	s28 =	simm.s32 $0x4;
	v34 =	vadd.s32 s7, v21;
	v30 =	vadd.s32 s26, v22;
	v25 =	vld.idx.msk [tilespmem:v33+s8+$0x0], $0xffff;
	[tilespmem:v31+s13+$0x0] =	vst.idx.msk $0xffff, v28  }
0x133: {  	s29 =	simm.s32 $0x3;
	v26 =	vld.idx.msk [tilespmem:v35+s8+$0x0], $0xffff;
	v35 =	vadd.s32 s14, v21;
	v31 =	vadd.s32 s28, v22;
	[tilespmem:v37+s13+$0x0] =	vst.idx.msk $0xffff, v36  }
0x134: {  	s30 =	simm.s32 $0x2;
	v33 =	vadd.s32 s29, v22;
	v27 =	vld.idx.msk [tilespmem:v39+s8+$0x0], $0xffff;
	v37 =	vadd.s32 s15, v21;
	[tilespmem:v41+s13+$0x0] =	vst.idx.msk $0xffff, v38  }
0x135: {  	s23 =	simm.s32 $0x10;
	s2 =	simm.s32 $0x1;
	v36 =	vadd.s32 s30, v22;
	v28 =	vld.idx.msk [tilespmem:v42+s8+$0x0], $0xffff;
	v38 =	vadd.s32 s16, v21;
	[tilespmem:v43+s13+$0x0] =	vst.idx.msk $0xffff, v40  }
.LBB2_16:
0x136: {  	p0 =	slt.u32 s23, $0x60;
	v39 =	vadd.s32 s2, v22;
	v29 =	vld.idx.msk [tilespmem:v29+s8+$0x0], $0xffff;
	v40 =	vadd.s32 s24, v21;
	[tilespmem:v32+s13+$0x0] =	vst.idx.msk $0xffff, v23  }
0x137: {  	v23 =	vor.u32 s23, v22;
	s0 =	sadd.s32 $0xF, s23;
	v32 =	vadd.s32 s25, v21;
	v30 =	vld.idx.msk [tilespmem:v30+s8+$0x0], $0xffff;
	[tilespmem:v34+s13+$0x0] =	vst.idx.msk $0xffff, v24  }
0x138: {  	s1 =	sadd.s32 $0xE, s23;
	v24 =	vadd.s32 s0, v22;
	v34 =	vadd.s32 s26, v21;
	v31 =	vld.idx.msk [tilespmem:v31+s8+$0x0], $0xffff;
	[tilespmem:v35+s13+$0x0] =	vst.idx.msk $0xffff, v25  }
0x139: {  	s6 =	sadd.s32 $0xD, s23;
	v25 =	vadd.s32 s1, v22;
	v35 =	vadd.s32 s28, v21;
	v33 =	vld.idx.msk [tilespmem:v33+s8+$0x0], $0xffff;
	[tilespmem:v37+s13+$0x0] =	vst.idx.msk $0xffff, v26  }
0x13a: {  	s7 =	sadd.s32 $0xC, s23;
	v26 =	vadd.s32 s6, v22;
	v37 =	vadd.s32 s29, v21;
	v36 =	vld.idx.msk [tilespmem:v36+s8+$0x0], $0xffff;
	[tilespmem:v38+s13+$0x0] =	vst.idx.msk $0xffff, v27  }
0x13b: {  	s14 =	sadd.s32 $0xB, s23;
	v27 =	vadd.s32 s7, v22;
	v38 =	vld.idx.msk [tilespmem:v39+s8+$0x0], $0xffff;
	v39 =	vadd.s32 s30, v21;
	[tilespmem:v40+s13+$0x0] =	vst.idx.msk $0xffff, v28  }
0x13c: {  	s15 =	sadd.s32 $0xA, s23;
	v41 =	vadd.s32 s2, v21;
	v40 =	vadd.s32 s14, v22;
	v28 =	vld.idx.msk [tilespmem:v23+s8+$0x0], $0xffff;
	[tilespmem:v32+s13+$0x0] =	vst.idx.msk $0xffff, v29  }
0x13d: {  	v42 =	vor.u32 s23, v21;
	s2 =	sadd.s32 $0x9, s23;
	v43 =	vadd.s32 s15, v22;
	v44 =	vld.idx.msk [tilespmem:v24+s8+$0x0], $0xffff;
	[tilespmem:v34+s13+$0x0] =	vst.idx.msk $0xffff, v30  }
0x13e: {  	s16 =	sadd.s32 $0x8, s23;
	v45 =	vadd.s32 s2, v22;
	v47 =	vadd.s32 s0, v21;
	v46 =	vld.idx.msk [tilespmem:v25+s8+$0x0], $0xffff;
	[tilespmem:v35+s13+$0x0] =	vst.idx.msk $0xffff, v31  }
0x13f: {  	s24 =	sadd.s32 $0x7, s23;
	v48 =	vadd.s32 s16, v22;
	v50 =	vadd.s32 s1, v21;
	v49 =	vld.idx.msk [tilespmem:v26+s8+$0x0], $0xffff;
	[tilespmem:v37+s13+$0x0] =	vst.idx.msk $0xffff, v33  }
0x140: {  	s25 =	sadd.s32 $0x6, s23;
	v51 =	vadd.s32 s24, v22;
	v52 =	vadd.s32 s6, v21;
	v23 =	vld.idx.msk [tilespmem:v27+s8+$0x0], $0xffff;
	[tilespmem:v39+s13+$0x0] =	vst.idx.msk $0xffff, v36  }
.Ltmp6:
0x141: {  	s26 =	sadd.s32 $0x5, s23;
	v29 =	vadd.s32 s25, v22;
	v32 =	vadd.s32 s7, v21;
	v24 =	vld.idx.msk [tilespmem:v40+s8+$0x0], $0xffff;
	[tilespmem:v41+s13+$0x0] =	vst.idx.msk $0xffff, v38;
	(pc) =	sbr.rel @p0 .LBB2_16-.Ltmp6, $4  }
0x142: {  	s28 =	sadd.s32 $0x4, s23;
	v30 =	vadd.s32 s26, v22;
	v34 =	vadd.s32 s14, v21;
	[tilespmem:v42+s13+$0x0] =	vst.idx.msk $0xffff, v28;
	v25 =	vld.idx.msk [tilespmem:v43+s8+$0x0], $0xffff  }
0x143: {  	s29 =	sadd.s32 $0x3, s23;
	v31 =	vadd.s32 s28, v22;
	v35 =	vadd.s32 s15, v21;
	v26 =	vld.idx.msk [tilespmem:v45+s8+$0x0], $0xffff;
	[tilespmem:v47+s13+$0x0] =	vst.idx.msk $0xffff, v44  }
0x144: {  	s30 =	sadd.s32 $0x2, s23;
	v33 =	vadd.s32 s29, v22;
	v37 =	vadd.s32 s2, v21;
	v27 =	vld.idx.msk [tilespmem:v48+s8+$0x0], $0xffff;
	[tilespmem:v50+s13+$0x0] =	vst.idx.msk $0xffff, v46  }
0x145: {  	s2 =	sadd.s32 $0x1, s23;
	s23 =	sadd.s32 $0x10, s23;
	v36 =	vadd.s32 s30, v22;
	v38 =	vadd.s32 s16, v21;
	v28 =	vld.idx.msk [tilespmem:v51+s8+$0x0], $0xffff;
	[tilespmem:v52+s13+$0x0] =	vst.idx.msk $0xffff, v49  }
0x146: {  	_ =	sdelay $0x3  }
0x147: {  	v39 =	vadd.s32 s24, v21;
	[tilespmem:v32+s13+$0x0] =	vst.idx.msk $0xffff, v23  }
0x148: {  	v22 =	vadd.s32 s2, v22;
	v41 =	vld.idx.msk [tilespmem:v29+s8+$0x0], $0xffff;
	v42 =	vadd.s32 s25, v21;
	[tilespmem:v34+s13+$0x0] =	vst.idx.msk $0xffff, v24  }
0x149: {  	v43 =	vld.idx.msk [tilespmem:v30+s8+$0x0], $0xffff;
	v44 =	vadd.s32 s26, v21;
	[tilespmem:v35+s13+$0x0] =	vst.idx.msk $0xffff, v25  }
0x14a: {  	v45 =	vld.idx.msk [tilespmem:v31+s8+$0x0], $0xffff;
	v46 =	vadd.s32 s28, v21;
	[tilespmem:v37+s13+$0x0] =	vst.idx.msk $0xffff, v26  }
0x14b: {  	v47 =	vld.idx.msk [tilespmem:v33+s8+$0x0], $0xffff;
	v48 =	vadd.s32 s29, v21;
	[tilespmem:v38+s13+$0x0] =	vst.idx.msk $0xffff, v27  }
0x14c: {  	v49 =	vld.idx.msk [tilespmem:v36+s8+$0x0], $0xffff;
	v50 =	vadd.s32 s30, v21;
	[tilespmem:v39+s13+$0x0] =	vst.idx.msk $0xffff, v28  }
0x14d: {  	v51 =	vadd.s32 s2, v21;
	v22 =	vld.idx.msk [tilespmem:v22+s8+$0x0], $0xffff;
	[tilespmem:v42+s13+$0x0] =	vst.idx.msk $0xffff, v41  }
0x14e: {  	v52 =	vor.u32 v13, v20;
	[tilespmem:v44+s13+$0x0] =	vst.idx.msk $0xffff, v43  }
0x14f: {  	v53 =	vor.u32 v2, v20;
	[tilespmem:v46+s13+$0x0] =	vst.idx.msk $0xffff, v45  }
0x150: {  	v54 =	vor.u32 v4, v20;
	[tilespmem:v48+s13+$0x0] =	vst.idx.msk $0xffff, v47  }
0x151: {  	v55 =	vor.u32 v5, v20;
	[tilespmem:v50+s13+$0x0] =	vst.idx.msk $0xffff, v49  }
0x152: {  	v56 =	vor.u32 v3, v20;
	[tilespmem:v51+s13+$0x0] =	vst.idx.msk $0xffff, v22  }
0x153: {  	v57 =	vor.u32 v13, v19;
	v58 =	vor.u32 v6, v20;
	v22 =	vld.idx.msk [tilespmem:v52+s8+$0x0], $0xffff  }
0x154: {  	v59 =	vor.u32 v2, v19;
	v60 =	vor.u32 v7, v20;
	v24 =	vld.idx.msk [tilespmem:v53+s8+$0x0], $0xffff  }
0x155: {  	v61 =	vor.u32 v4, v19;
	v62 =	vor.u32 v8, v20;
	v25 =	vld.idx.msk [tilespmem:v54+s8+$0x0], $0xffff  }
0x156: {  	v63 =	vor.u32 v5, v19;
	v36 =	vor.u32 v9, v20;
	v26 =	vld.idx.msk [tilespmem:v55+s8+$0x0], $0xffff  }
0x157: {  	v37 =	vor.u32 v3, v19;
	v38 =	vor.u32 v10, v20;
	v21 =	vld.idx.msk [tilespmem:v56+s8+$0x0], $0xffff  }
0x158: {  	v40 =	vor.u32 v6, v19;
	v41 =	vor.u32 v11, v20;
	v39 =	vld.idx.msk [tilespmem:v58+s8+$0x0], $0xffff;
	[tilespmem:v57+s13+$0x0] =	vst.idx.msk $0xffff, v22  }
0x159: {  	v43 =	vor.u32 v7, v19;
	v44 =	vor.u32 v12, v20;
	v42 =	vld.idx.msk [tilespmem:v60+s8+$0x0], $0xffff;
	[tilespmem:v59+s13+$0x0] =	vst.idx.msk $0xffff, v24  }
0x15a: {  	v46 =	vor.u32 v8, v19;
	v47 =	vor.u32 v14, v20;
	v45 =	vld.idx.msk [tilespmem:v62+s8+$0x0], $0xffff;
	[tilespmem:v61+s13+$0x0] =	vst.idx.msk $0xffff, v25  }
0x15b: {  	v49 =	vor.u32 v9, v19;
	v50 =	vor.u32 v15, v20;
	v48 =	vld.idx.msk [tilespmem:v36+s8+$0x0], $0xffff;
	[tilespmem:v63+s13+$0x0] =	vst.idx.msk $0xffff, v26  }
0x15c: {  	v51 =	vld.idx.msk [tilespmem:v38+s8+$0x0], $0xffff;
	v52 =	vor.u32 v10, v19;
	v53 =	vor.u32 v16, v20;
	[tilespmem:v37+s13+$0x0] =	vst.idx.msk $0xffff, v21  }
0x15d: {  	v54 =	vld.idx.msk [tilespmem:v41+s8+$0x0], $0xffff;
	v55 =	vor.u32 v11, v19;
	v20 =	vor.u32 v17, v20;
	[tilespmem:v40+s13+$0x0] =	vst.idx.msk $0xffff, v39  }
0x15e: {  	v56 =	vld.idx.msk [tilespmem:v44+s8+$0x0], $0xffff;
	[tilespmem:v43+s13+$0x0] =	vst.idx.msk $0xffff, v42;
	v57 =	vor.u32 v12, v19  }
0x15f: {  	v58 =	vld.idx.msk [tilespmem:v47+s8+$0x0], $0xffff;
	[tilespmem:v46+s13+$0x0] =	vst.idx.msk $0xffff, v45;
	v59 =	vor.u32 v14, v19  }
0x160: {  	v60 =	vld.idx.msk [tilespmem:v50+s8+$0x0], $0xffff;
	[tilespmem:v49+s13+$0x0] =	vst.idx.msk $0xffff, v48;
	v61 =	vor.u32 v15, v19  }
0x161: {  	s22 =	sadd.s32 $0x1, s22;
	[tilespmem:v52+s13+$0x0] =	vst.idx.msk $0xffff, v51;
	v62 =	vld.idx.msk [tilespmem:v53+s8+$0x0], $0xffff;
	v63 =	vor.u32 v16, v19  }
0x162: {  	p0 =	sne.s32 s22, $0x8;
	[tilespmem:v55+s13+$0x0] =	vst.idx.msk $0xffff, v54;
	v20 =	vld.idx.msk [tilespmem:v20+s8+$0x0], $0xffff;
	v19 =	vor.u32 v17, v19  }
.Ltmp7:
0x163: {  	[tilespmem:v57+s13+$0x0] =	vst.idx.msk $0xffff, v56;
	(pc) =	sbr.rel @p0 .LBB2_15-.Ltmp7, $4  }
0x164: {  	[tilespmem:v59+s13+$0x0] =	vst.idx.msk $0xffff, v58  }
0x165: {  	[tilespmem:v61+s13+$0x0] =	vst.idx.msk $0xffff, v60  }
0x166: {  	[tilespmem:v63+s13+$0x0] =	vst.idx.msk $0xffff, v62  }
0x167: {  	[tilespmem:v19+s13+$0x0] =	vst.idx.msk $0xffff, v20  }
0x168: {  	s19 =	sadd.s32 $0x1, s19  }
0x169: {  	p0 =	sne.s32 s19, $0x32  }
.Ltmp8:
0x16a: {  	s0 =	sadd.s32 s5, s20;
	(pc) =	sbr.rel @p0 .LBB2_2-.Ltmp8, $4  }
0x16b: {  	s0 =	sshll.u32 s0, $0xB  }
0x16c: {  	s0 =	sand.u32 $0x1FFFF800, s0  }
0x16d: {  	s0 =	sadd.s32 s3, s0  }
0x16e: {  	[hbm4b:s0+s4] =	stream.linear.scatter [tilespmem:s13], [sflag:$0x4], $0x4000, $0x38;
	[tilespmem:$0x16580] =	vst v63  }
0x16f: {  	s0 =	simm.s32 $0x1  }
0x170: {  	_ =	swait.ge [sflag:s0], $0x4000  }
0x171: {  	[sflag:s0] =	ssyncset.done $0x0  }
0x172: {  	s29 =	simm.s32 $0x2;
	[sflag:s0] =	ssyncadd.s32 $0xFFFFC000  }
0x173: {  	_ =	swait.ge [sflag:s29], $0x4000  }
0x174: {  	[sflag:s29] =	ssyncset.done $0x0  }
0x175: {  	s30 =	simm.s32 $0x3;
	[sflag:s29] =	ssyncadd.s32 $0xFFFFC000  }
0x176: {  	_ =	swait.ge [sflag:s30], $0x4000  }
0x177: {  	[sflag:s30] =	ssyncset.done $0x0  }
0x178: {  	[sflag:s30] =	ssyncadd.s32 $0xFFFFC000  }
0x179: {  	_ =	swait.ge [sflag:s17], $0x4000  }
0x17a: {  	s18 =	sadd.s32 $0x1, s18;
	s31 =	rddreg [dreg:$0x5]  }
0x17b: {  	p0 =	sne.s32 s18, s31  }
.Ltmp9:
0x17c: {  	_ = 	snop;
	(pc) =	sbr.rel @p0 .LBB2_1-.Ltmp9, $3  }
0x17d: {  	_ =	sdelay $0x1  }
0x17e: {  	[sflag:s17] =	ssyncset.done $0x0  }
0x17f: {  	[sflag:s17] =	ssyncadd.s32 $0xFFFFC000  }
0x180: {  	_ =	sfence.sel $0x180000  }
0x181: {  	[bflag:$0x0] =	sbarrier.arrive $0xFFFF  }
0x182: {  	_ =	strace $0x90000047  }
0x183: {  	s0 =	stileid.u32;
	[bflag:$0x2] =	sbarrier.arrive $0xFFFF  }
0x184: {  	p0 =	sne.s32 s0, $0x0;
	s0 =	rddreg [dreg:$0x3]  }
0x185: {  	s0 =	sadd.s32 @!p0 $0x100000, s0  }
0x186: {  	[sflag:s0] =	ssyncadd.tile.s32 @!p0 $0x1;
	_ =	shalt  }
.Lfunc_end2:
_tile_overlayer_lowered:
.L_overlay_start_2:
0x187: {  	(tag) =	ssettag $0x2  }
0x188: {  	s0 =	rddreg [dreg:$0x0];
	s2 =	stileid.u32  }
0x189: {  	s1 =	rddreg [dreg:$0x1];
	p0 =	sne.s32 s2, $0x0  }
0x18a: {  	s3 =	rddreg [dreg:$0x2];
	[bflag:$0x3] =	sbarrier.arrive $0xFFFF;
	s2 =	simm.s32 @!p0 $0x1C05  }
0x18b: {  	[timem:s3], [sflag:s2] =	dma.local @!p0 [hbm:s0], s1  }
0x18c: {  	s0 =	simm.s32 @!p0 $0x5  }
0x18d: {  	_ =	swait.ge @!p0 [sflag:s0], s1  }
0x18e: {  	s1 =	ssub.s32 @!p0 $0x0, s1;
	[sflag:s0] =	ssyncset.done @!p0 $0x0  }
0x18f: {  	[sflag:s0] =	ssyncadd.s32 @!p0 s1  }
0x190: {  	[bflag:$0x3] =	sbarrier.arrive $0xFFFF  }
0x191: {  	_ =	shalt  }

</sc_bundles>
